<compile_context>
chip_gen: v7x
topology: tpu7x:2x2x1
jax: 0.10.2.dev20260603
libtpu: 0.0.44.dev20260713+nightly
codegen_flags: <defaults>
</compile_context>

<pallas_src>
import functools

import jax
import jax.numpy as jnp
from jax import lax
from jax.experimental import pallas as pl
from jax.experimental.pallas import tpu as pltpu
from jax.experimental.pallas import tpu_sc as plsc

N_NODES = 10000
N_EDGES = 320000
H = 128

NC = 2
NS = 16
NW = NC * NS

CHUNK = 128

NP = 10112
NODE_CHUNKS = NP // CHUNK
ROWS_PER_TILE = NP // NS

EDGE_CHUNKS = 79
EDGES_PER_TILE = EDGE_CHUNKS * CHUNK
E_PAD = NW * EDGES_PER_TILE


def _mesh():
    return plsc.VectorSubcoreMesh(core_axis_name="c", subcore_axis_name="s",
                                  num_cores=NC, num_subcores=NS)



def _embed_sc_body(emb_hbm, x_hbm, out_hbm, idx_v, rows_v, sem):
    cid = lax.axis_index("c")
    sid = lax.axis_index("s")
    wid = cid * NS + sid
    lo = wid * NODE_CHUNKS // NW
    hi = (wid + 1) * NODE_CHUNKS // NW

    def chunk(j, carry):
        off = pl.multiple_of(j * CHUNK, CHUNK)
        pltpu.sync_copy(x_hbm.at[pl.ds(off, CHUNK)], idx_v)
        pltpu.async_copy(emb_hbm.at[idx_v], rows_v, sem).wait()
        pltpu.sync_copy(rows_v, out_hbm.at[pl.ds(off, CHUNK)])
        return carry

    lax.fori_loop(lo, hi, chunk, 0)


@functools.cache
def _embed_sc():
    return pl.kernel(
        _embed_sc_body,
        out_type=jax.ShapeDtypeStruct((NP, H), jnp.float32),
        mesh=_mesh(),
        scratch_types=[
            pltpu.VMEM((CHUNK,), jnp.int32),
            pltpu.VMEM((CHUNK, H), jnp.float32),
            pltpu.SemaphoreType.DMA,
        ],
    )



def _scatter_sc_body(m_hbm, src_hbm, dst_hbm, zero_hbm, parts_hbm,
                     src_v, dst_v, rows_v, acc, sem):
    cid = lax.axis_index("c")
    sid = lax.axis_index("s")
    wid = cid * NS + sid

    pltpu.sync_copy(zero_hbm.at[pl.ds(sid * ROWS_PER_TILE, ROWS_PER_TILE)],
                    acc.at[pl.ds(sid * ROWS_PER_TILE, ROWS_PER_TILE)])
    plsc.subcore_barrier()

    def chunk(j, carry):
        off = pl.multiple_of(wid * EDGES_PER_TILE + j * CHUNK, CHUNK)
        pltpu.sync_copy(src_hbm.at[pl.ds(off, CHUNK)], src_v)
        pltpu.sync_copy(dst_hbm.at[pl.ds(off, CHUNK)], dst_v)
        pltpu.async_copy(m_hbm.at[src_v], rows_v, sem).wait()
        pltpu.sync_copy(rows_v, acc.at[dst_v], add=True)
        return carry

    lax.fori_loop(0, EDGE_CHUNKS, chunk, 0)
    plsc.subcore_barrier()

    pltpu.sync_copy(acc.at[pl.ds(sid * ROWS_PER_TILE, ROWS_PER_TILE)],
                    parts_hbm.at[cid, pl.ds(sid * ROWS_PER_TILE, ROWS_PER_TILE)])


@functools.cache
def _scatter_sc():
    return pl.kernel(
        _scatter_sc_body,
        out_type=jax.ShapeDtypeStruct((NC, NP, H), jnp.float32),
        mesh=_mesh(),
        scratch_types=[
            pltpu.VMEM((CHUNK,), jnp.int32),
            pltpu.VMEM((CHUNK,), jnp.int32),
            pltpu.VMEM((CHUNK, H), jnp.float32),
            pltpu.VMEM_SHARED((NP, H), jnp.float32),
            pltpu.SemaphoreType.DMA,
        ],
    )



ROWS_BLK = ROWS_PER_TILE


def _mm_body(h_ref, w_ref, o_ref):
    o_ref[...] = jnp.dot(h_ref[...], w_ref[...],
                         preferred_element_type=jnp.float32)


_mm = pl.pallas_call(
    _mm_body,
    grid=(NP // ROWS_BLK,),
    in_specs=[
        pl.BlockSpec((ROWS_BLK, H), lambda i: (i, 0)),
        pl.BlockSpec((H, H), lambda i: (0, 0)),
    ],
    out_specs=pl.BlockSpec((ROWS_BLK, H), lambda i: (i, 0)),
    out_shape=jax.ShapeDtypeStruct((NP, H), jnp.float32),
)


def _gru_body(parts_ref, h_ref, wih_t_ref, whh_t_ref, bih_ref, bhh_ref,
              o_ref, *, final):
    agg = parts_ref[0] + parts_ref[1]
    h = h_ref[...]
    gi = jnp.dot(agg, wih_t_ref[...],
                 preferred_element_type=jnp.float32) + bih_ref[...]
    gh = jnp.dot(h, whh_t_ref[...],
                 preferred_element_type=jnp.float32) + bhh_ref[...]
    r = jax.nn.sigmoid(gi[:, 0:H] + gh[:, 0:H])
    z = jax.nn.sigmoid(gi[:, H:2 * H] + gh[:, H:2 * H])
    n = jnp.tanh(gi[:, 2 * H:] + r * gh[:, 2 * H:])
    hn = (1.0 - z) * n + z * h
    if final:
        hn = jnp.maximum(hn, 0.0)
    o_ref[...] = hn


def _make_gru(final):
    return pl.pallas_call(
        functools.partial(_gru_body, final=final),
        grid=(NP // ROWS_BLK,),
        in_specs=[
            pl.BlockSpec((NC, ROWS_BLK, H), lambda i: (0, i, 0)),
            pl.BlockSpec((ROWS_BLK, H), lambda i: (i, 0)),
            pl.BlockSpec((H, 3 * H), lambda i: (0, 0)),
            pl.BlockSpec((H, 3 * H), lambda i: (0, 0)),
            pl.BlockSpec((1, 3 * H), lambda i: (0, 0)),
            pl.BlockSpec((1, 3 * H), lambda i: (0, 0)),
        ],
        out_specs=pl.BlockSpec((ROWS_BLK, H), lambda i: (i, 0)),
        out_shape=jax.ShapeDtypeStruct((NP, H), jnp.float32),
    )


_gru_mid = _make_gru(False)
_gru_final = _make_gru(True)



def kernel(x, edge_index, emb, W, w_ih, w_hh, b_ih, b_hh):
    x_pad = jnp.pad(x.astype(jnp.int32), (0, NP - N_NODES))
    src = jnp.pad(edge_index[0].astype(jnp.int32), (0, E_PAD - N_EDGES))
    dst = jnp.pad(edge_index[1].astype(jnp.int32), (0, E_PAD - N_EDGES),
                  constant_values=N_NODES)
    zeros = jnp.zeros((NP, H), jnp.float32)
    wih_t = w_ih.T
    whh_t = w_hh.T
    bih = b_ih.reshape(1, 3 * H)
    bhh = b_hh.reshape(1, 3 * H)

    h = _embed_sc()(emb, x_pad)
    for i in range(W.shape[0]):
        m = _mm(h, W[i])
        parts = _scatter_sc()(m, src, dst, zeros)
        gru = _gru_final if i == W.shape[0] - 1 else _gru_mid
        h = gru(parts, h, wih_t, whh_t, bih, bhh)
    return h[:N_NODES]

# --- scband reference (transcript-rebuilt; emitter-appended) ---
"""Pipeline reference for scband-gnnmodel-59322088292755 (READ-ONLY COPY).

The authoritative reference and input builder live on the scoring server;
editing this copy changes nothing except your own understanding.
"""

import jax, jax.numpy as jnp
import numpy as np

N_NODES = 10000
N_EDGES = 320000
VOCAB = 100000
H = 128
L = 3

def setup_inputs(seed: int = 0) -> dict:
    key = jax.random.key(seed)
    ks = jax.random.split(key, 8)
    stdv = 1.0 / np.sqrt(H)
    x = jax.random.randint(ks[0], (N_NODES,), 0, VOCAB, dtype=jnp.int64 if jax.config.jax_enable_x64 else jnp.int32)
    edge_index = jax.random.randint(ks[1], (2, N_EDGES), 0, N_NODES, dtype=jnp.int64 if jax.config.jax_enable_x64 else jnp.int32)
    emb = jax.random.uniform(ks[2], (VOCAB, H), minval=-stdv, maxval=stdv, dtype=jnp.float32)
    W = jax.random.uniform(ks[3], (L, H, H), minval=-stdv, maxval=stdv, dtype=jnp.float32)
    w_ih = jax.random.uniform(ks[4], (3 * H, H), minval=-stdv, maxval=stdv, dtype=jnp.float32)
    w_hh = jax.random.uniform(ks[5], (3 * H, H), minval=-stdv, maxval=stdv, dtype=jnp.float32)
    b_ih = jax.random.uniform(ks[6], (3 * H,), minval=-stdv, maxval=stdv, dtype=jnp.float32)
    b_hh = jax.random.uniform(ks[7], (3 * H,), minval=-stdv, maxval=stdv, dtype=jnp.float32)
    return {"x": x, "edge_index": edge_index, "emb": emb, "W": W, "w_ih": w_ih, "w_hh": w_hh, "b_ih": b_ih, "b_hh": b_hh}

def _gru_cell(inp, hid, w_ih, w_hh, b_ih, b_hh):
    gi = inp @ w_ih.T + b_ih
    gh = hid @ w_hh.T + b_hh
    i_r, i_z, i_n = jnp.split(gi, 3, axis=1)
    h_r, h_z, h_n = jnp.split(gh, 3, axis=1)
    r = jax.nn.sigmoid(i_r + h_r)
    z = jax.nn.sigmoid(i_z + h_z)
    n = jnp.tanh(i_n + r * h_n)
    return (1.0 - z) * n + z * hid

def reference(x, edge_index, emb, W, w_ih, w_hh, b_ih, b_hh):
    # embedding lookup (nn.Embedding), squeeze is a no-op for 1-D x
    h = jnp.take(emb, x, axis=0)
    src = edge_index[0]
    dst = edge_index[1]
    num_nodes = h.shape[0]
    # GatedGraphConv: per layer, linear transform -> scatter-add message passing -> GRUCell update
    for i in range(W.shape[0]):
        m = h @ W[i]
        agg = jax.ops.segment_sum(jnp.take(m, src, axis=0), dst, num_segments=num_nodes)
        h = _gru_cell(agg, h, w_ih, w_hh, b_ih, b_hh)
    return jax.nn.relu(h)

if __name__ == "__main__":
    import jax
    _d = setup_inputs()
    print(jax.jit(kernel)(*tuple(_d.values())))

</pallas_src>

<mosaic_0001>
#map = affine_map<(d0, d1) -> (0, 0)>
#map1 = affine_map<(d0, d1) -> (0)>
#map2 = affine_map<(d0, d1) -> (0, 0, 0)>
module attributes {stable_mosaic.version = 14 : i64} {
  func.func @_scatter_sc_body(%arg0: i32, %arg1: i32, %arg2: memref<10112x128xf32, #tpu.memory_space<hbm>>, %arg3: memref<323584xi32, #tpu.memory_space<hbm>>, %arg4: memref<323584xi32, #tpu.memory_space<hbm>>, %arg5: memref<10112x128xf32, #tpu.memory_space<hbm>>, %arg6: memref<2x10112x128xf32, #tpu.memory_space<hbm>>, %arg7: memref<128xi32, #tpu.memory_space<vmem>>, %arg8: memref<128xi32, #tpu.memory_space<vmem>>, %arg9: memref<128x128xf32, #tpu.memory_space<vmem>>, %arg10: memref<10112x128xf32, #tpu.memory_space<vmem_shared>>, %arg11: memref<!tpu.dma_semaphore, #tpu.memory_space<semaphore_mem>>) attributes {dimension_semantics = [#tpu.dimension_semantics<core_parallel>, #tpu.dimension_semantics<subcore_parallel>], iteration_bounds = array<i64: 2, 16>, scalar_prefetch = 0 : i64, scratch_operands = 5 : i64, tpu.core_type = #tpu.core_type<sc_vector_subcore>, window_params = [{transform_indices = #map}, {transform_indices = #map1}, {transform_indices = #map1}, {transform_indices = #map}, {transform_indices = #map2}]} {
    %mul3A = arith.constant 16 : i32
    %mul3A_0 = arith.muli %arg0, %mul3A : i32
    %add3A = arith.addi %mul3A_0, %arg1 : i32
    %mul3A_1 = arith.constant 632 : i32
    %mul3A_2 = arith.muli %arg1, %mul3A_1 : i32
    %mul3A_3 = arith.constant 632 : i32
    %mul3A_4 = arith.muli %arg1, %mul3A_3 : i32
    "tpu.region"() ({
      %run_scoped3A = tpu.sem_alloc : memref<!tpu.dma_semaphore, #tpu.memory_space<semaphore_mem>>
      %dma_start3A = arith.constant 0 : i32
      %dma_start3A_15 = tpu.memref_slice %arg10[%mul3A_4, %dma_start3A] : memref<10112x128xf32, #tpu.memory_space<vmem_shared>> -> memref<632x128xf32, #tpu.memory_space<vmem_shared>>
      %dma_start3A_16 = arith.constant 0 : i32
      %dma_start3A_17 = tpu.memref_slice %arg5[%mul3A_2, %dma_start3A_16] : memref<10112x128xf32, #tpu.memory_space<hbm>> -> memref<632x128xf32, #tpu.memory_space<hbm>>
      tpu.enqueue_dma source(%dma_start3A_17 : memref<632x128xf32, #tpu.memory_space<hbm>>) target(%dma_start3A_15 : memref<632x128xf32, #tpu.memory_space<vmem_shared>>) target_semaphore(%run_scoped3A : memref<!tpu.dma_semaphore, #tpu.memory_space<semaphore_mem>>)
      %dma_wait3A = arith.constant 0 : i32
      %dma_wait3A_18 = tpu.memref_slice %arg10[%mul3A_4, %dma_wait3A] : memref<10112x128xf32, #tpu.memory_space<vmem_shared>> -> memref<632x128xf32, #tpu.memory_space<vmem_shared>>
      %dma_wait3A_19 = arith.constant 0 : i32
      %dma_wait3A_20 = tpu.memref_slice %arg5[%mul3A_2, %dma_wait3A_19] : memref<10112x128xf32, #tpu.memory_space<hbm>> -> memref<632x128xf32, #tpu.memory_space<hbm>>
      tpu.wait_dma2 semaphore(%run_scoped3A : memref<!tpu.dma_semaphore, #tpu.memory_space<semaphore_mem>>) src(%dma_wait3A_20 : memref<632x128xf32, #tpu.memory_space<hbm>>) dst(%dma_wait3A_18 : memref<632x128xf32, #tpu.memory_space<vmem_shared>>)
      tpu.yield
    }) : () -> ()
    %barrier3A = arith.constant 0 : index
    tpu.barrier barrier_id(%barrier3A)
    %scan3A = arith.constant 0 : i32
    %scan3A_5 = arith.constant 0 : i32
    %scan3A_6 = arith.constant 79 : i32
    %scan3A_7 = arith.addi %scan3A_5, %scan3A_6 : i32
    %scan3A_8 = arith.constant 1 : i32
    scf.for %scan3A_15 = %scan3A_5 to %scan3A_7 step %scan3A_8  : i32 {
      %mul3A_16 = arith.constant 10112 : i32
      %mul3A_17 = arith.muli %add3A, %mul3A_16 : i32
      %mul3A_18 = arith.constant 128 : i32
      %mul3A_19 = arith.muli %scan3A_15, %mul3A_18 : i32
      %add3A_20 = arith.addi %mul3A_17, %mul3A_19 : i32
      %multiple_of3A = tpu.assume_multiple %add3A_20, 128 : i32
      "tpu.region"() ({
        %run_scoped3A = tpu.sem_alloc : memref<!tpu.dma_semaphore, #tpu.memory_space<semaphore_mem>>
        %dma_start3A_25 = tpu.memref_slice %arg3[%multiple_of3A] : memref<323584xi32, #tpu.memory_space<hbm>> -> memref<128xi32, #tpu.memory_space<hbm>>
        %dma_start3A_26 = tpu.memref_slice %arg3[%multiple_of3A] : memref<323584xi32, #tpu.memory_space<hbm>> -> memref<128xi32, #tpu.memory_space<hbm>>
        tpu.enqueue_dma source(%dma_start3A_26 : memref<128xi32, #tpu.memory_space<hbm>>) target(%arg7 : memref<128xi32, #tpu.memory_space<vmem>>) target_semaphore(%run_scoped3A : memref<!tpu.dma_semaphore, #tpu.memory_space<semaphore_mem>>)
        %dma_wait3A_27 = tpu.memref_slice %arg3[%multiple_of3A] : memref<323584xi32, #tpu.memory_space<hbm>> -> memref<128xi32, #tpu.memory_space<hbm>>
        %dma_wait3A_28 = tpu.memref_slice %arg3[%multiple_of3A] : memref<323584xi32, #tpu.memory_space<hbm>> -> memref<128xi32, #tpu.memory_space<hbm>>
        tpu.wait_dma2 semaphore(%run_scoped3A : memref<!tpu.dma_semaphore, #tpu.memory_space<semaphore_mem>>) src(%dma_wait3A_28 : memref<128xi32, #tpu.memory_space<hbm>>) dst(%arg7 : memref<128xi32, #tpu.memory_space<vmem>>)
        tpu.yield
      }) : () -> ()
      "tpu.region"() ({
        %run_scoped3A = tpu.sem_alloc : memref<!tpu.dma_semaphore, #tpu.memory_space<semaphore_mem>>
        %dma_start3A_25 = tpu.memref_slice %arg4[%multiple_of3A] : memref<323584xi32, #tpu.memory_space<hbm>> -> memref<128xi32, #tpu.memory_space<hbm>>
        %dma_start3A_26 = tpu.memref_slice %arg4[%multiple_of3A] : memref<323584xi32, #tpu.memory_space<hbm>> -> memref<128xi32, #tpu.memory_space<hbm>>
        tpu.enqueue_dma source(%dma_start3A_26 : memref<128xi32, #tpu.memory_space<hbm>>) target(%arg8 : memref<128xi32, #tpu.memory_space<vmem>>) target_semaphore(%run_scoped3A : memref<!tpu.dma_semaphore, #tpu.memory_space<semaphore_mem>>)
        %dma_wait3A_27 = tpu.memref_slice %arg4[%multiple_of3A] : memref<323584xi32, #tpu.memory_space<hbm>> -> memref<128xi32, #tpu.memory_space<hbm>>
        %dma_wait3A_28 = tpu.memref_slice %arg4[%multiple_of3A] : memref<323584xi32, #tpu.memory_space<hbm>> -> memref<128xi32, #tpu.memory_space<hbm>>
        tpu.wait_dma2 semaphore(%run_scoped3A : memref<!tpu.dma_semaphore, #tpu.memory_space<semaphore_mem>>) src(%dma_wait3A_28 : memref<128xi32, #tpu.memory_space<hbm>>) dst(%arg8 : memref<128xi32, #tpu.memory_space<vmem>>)
        tpu.yield
      }) : () -> ()
      %dma_start3A = arith.constant 0 : i32
      %dma_start3A_21 = arith.constant 0 : i32
      %dma_start3A_22 = tpu.memref_slice %arg2[%dma_start3A, %dma_start3A_21] : memref<10112x128xf32, #tpu.memory_space<hbm>> -> memref<10112x128xf32, #tpu.memory_space<hbm>>
      tpu.enqueue_indirect_dma source(%dma_start3A_22 : memref<10112x128xf32, #tpu.memory_space<hbm>>) target(%arg9 : memref<128x128xf32, #tpu.memory_space<vmem>>) offsets(%arg7 : memref<128xi32, #tpu.memory_space<vmem>>) semaphore(%arg11 : memref<!tpu.dma_semaphore, #tpu.memory_space<semaphore_mem>>)
      %dma_wait3A = arith.constant 0 : i32
      %dma_wait3A_23 = arith.constant 0 : i32
      %dma_wait3A_24 = tpu.memref_slice %arg2[%dma_wait3A, %dma_wait3A_23] : memref<10112x128xf32, #tpu.memory_space<hbm>> -> memref<10112x128xf32, #tpu.memory_space<hbm>>
      tpu.wait_indirect_dma semaphore(%arg11 : memref<!tpu.dma_semaphore, #tpu.memory_space<semaphore_mem>>) src(%dma_wait3A_24 : memref<10112x128xf32, #tpu.memory_space<hbm>>) dst(%arg9 : memref<128x128xf32, #tpu.memory_space<vmem>>)
      "tpu.region"() ({
        %run_scoped3A = tpu.sem_alloc : memref<!tpu.dma_semaphore, #tpu.memory_space<semaphore_mem>>
        %dma_start3A_25 = arith.constant 0 : i32
        %dma_start3A_26 = arith.constant 0 : i32
        %dma_start3A_27 = tpu.memref_slice %arg10[%dma_start3A_25, %dma_start3A_26] : memref<10112x128xf32, #tpu.memory_space<vmem_shared>> -> memref<10112x128xf32, #tpu.memory_space<vmem_shared>>
        tpu.enqueue_indirect_dma source(%arg9 : memref<128x128xf32, #tpu.memory_space<vmem>>) target(%dma_start3A_27 : memref<10112x128xf32, #tpu.memory_space<vmem_shared>>) offsets(%arg8 : memref<128xi32, #tpu.memory_space<vmem>>) semaphore(%run_scoped3A : memref<!tpu.dma_semaphore, #tpu.memory_space<semaphore_mem>>) {add = true}
        %dma_wait3A_28 = arith.constant 0 : i32
        %dma_wait3A_29 = arith.constant 0 : i32
        %dma_wait3A_30 = tpu.memref_slice %arg10[%dma_wait3A_28, %dma_wait3A_29] : memref<10112x128xf32, #tpu.memory_space<vmem_shared>> -> memref<10112x128xf32, #tpu.memory_space<vmem_shared>>
        tpu.wait_indirect_dma semaphore(%run_scoped3A : memref<!tpu.dma_semaphore, #tpu.memory_space<semaphore_mem>>) src(%arg9 : memref<128x128xf32, #tpu.memory_space<vmem>>) dst(%dma_wait3A_30 : memref<10112x128xf32, #tpu.memory_space<vmem_shared>>)
        tpu.yield
      }) : () -> ()
    }
    %scan3A_9 = arith.constant 79 : i32
    %barrier3A_10 = arith.constant 0 : index
    tpu.barrier barrier_id(%barrier3A_10)
    %mul3A_11 = arith.constant 632 : i32
    %mul3A_12 = arith.muli %arg1, %mul3A_11 : i32
    %mul3A_13 = arith.constant 632 : i32
    %mul3A_14 = arith.muli %arg1, %mul3A_13 : i32
    "tpu.region"() ({
      %run_scoped3A = tpu.sem_alloc : memref<!tpu.dma_semaphore, #tpu.memory_space<semaphore_mem>>
      %dma_start3A = arith.constant 0 : i32
      %dma_start3A_15 = tpu.memref_slice %arg6[%arg0, %mul3A_14, %dma_start3A] : memref<2x10112x128xf32, #tpu.memory_space<hbm>> -> memref<1x632x128xf32, #tpu.memory_space<hbm>>
      %dma_start3A_16 = tpu.memref_squeeze %dma_start3A_15 : memref<1x632x128xf32, #tpu.memory_space<hbm>> -> memref<632x128xf32, #tpu.memory_space<hbm>>
      %dma_start3A_17 = arith.constant 0 : i32
      %dma_start3A_18 = tpu.memref_slice %arg10[%mul3A_12, %dma_start3A_17] : memref<10112x128xf32, #tpu.memory_space<vmem_shared>> -> memref<632x128xf32, #tpu.memory_space<vmem_shared>>
      tpu.enqueue_dma source(%dma_start3A_18 : memref<632x128xf32, #tpu.memory_space<vmem_shared>>) target(%dma_start3A_16 : memref<632x128xf32, #tpu.memory_space<hbm>>) target_semaphore(%run_scoped3A : memref<!tpu.dma_semaphore, #tpu.memory_space<semaphore_mem>>)
      %dma_wait3A = arith.constant 0 : i32
      %dma_wait3A_19 = tpu.memref_slice %arg6[%arg0, %mul3A_14, %dma_wait3A] : memref<2x10112x128xf32, #tpu.memory_space<hbm>> -> memref<1x632x128xf32, #tpu.memory_space<hbm>>
      %dma_wait3A_20 = tpu.memref_squeeze %dma_wait3A_19 : memref<1x632x128xf32, #tpu.memory_space<hbm>> -> memref<632x128xf32, #tpu.memory_space<hbm>>
      %dma_wait3A_21 = arith.constant 0 : i32
      %dma_wait3A_22 = tpu.memref_slice %arg10[%mul3A_12, %dma_wait3A_21] : memref<10112x128xf32, #tpu.memory_space<vmem_shared>> -> memref<632x128xf32, #tpu.memory_space<vmem_shared>>
      tpu.wait_dma2 semaphore(%run_scoped3A : memref<!tpu.dma_semaphore, #tpu.memory_space<semaphore_mem>>) src(%dma_wait3A_22 : memref<632x128xf32, #tpu.memory_space<vmem_shared>>) dst(%dma_wait3A_20 : memref<632x128xf32, #tpu.memory_space<hbm>>)
      tpu.yield
    }) : () -> ()
    return
  }
}

#map = affine_map<(d0, d1) -> (0, 0)>
#map1 = affine_map<(d0, d1) -> (0)>
module attributes {stable_mosaic.version = 14 : i64} {
  func.func @_embed_sc_body(%arg0: i32, %arg1: i32, %arg2: memref<100000x128xf32, #tpu.memory_space<hbm>>, %arg3: memref<10112xi32, #tpu.memory_space<hbm>>, %arg4: memref<10112x128xf32, #tpu.memory_space<hbm>>, %arg5: memref<128xi32, #tpu.memory_space<vmem>>, %arg6: memref<128x128xf32, #tpu.memory_space<vmem>>, %arg7: memref<!tpu.dma_semaphore, #tpu.memory_space<semaphore_mem>>) attributes {dimension_semantics = [#tpu.dimension_semantics<core_parallel>, #tpu.dimension_semantics<subcore_parallel>], iteration_bounds = array<i64: 2, 16>, scalar_prefetch = 0 : i64, scratch_operands = 3 : i64, tpu.core_type = #tpu.core_type<sc_vector_subcore>, window_params = [{transform_indices = #map}, {transform_indices = #map1}, {transform_indices = #map}]} {
    %mul3A = arith.constant 16 : i32
    %mul3A_0 = arith.muli %arg0, %mul3A : i32
    %add3A = arith.addi %mul3A_0, %arg1 : i32
    %mul3A_1 = arith.constant 79 : i32
    %mul3A_2 = arith.muli %add3A, %mul3A_1 : i32
    %jit3A = arith.constant 32 : i32
    %div3A = arith.divsi %mul3A_2, %jit3A : i32
    %sign3A = arith.constant 0 : i32
    %sign3A_3 = arith.cmpi sgt, %mul3A_2, %sign3A : i32
    %sign3A_4 = arith.extui %sign3A_3 : i1 to i32
    %sign3A_5 = arith.constant 0 : i32
    %sign3A_6 = arith.cmpi slt, %mul3A_2, %sign3A_5 : i32
    %sign3A_7 = arith.extui %sign3A_6 : i1 to i32
    %sign3A_8 = arith.subi %sign3A_4, %sign3A_7 : i32
    %sign3A_9 = arith.constant 0 : i32
    %sign3A_10 = arith.cmpi sgt, %jit3A, %sign3A_9 : i32
    %sign3A_11 = arith.extui %sign3A_10 : i1 to i32
    %sign3A_12 = arith.constant 0 : i32
    %sign3A_13 = arith.cmpi slt, %jit3A, %sign3A_12 : i32
    %sign3A_14 = arith.extui %sign3A_13 : i1 to i32
    %sign3A_15 = arith.subi %sign3A_11, %sign3A_14 : i32
    %ne3A = arith.cmpi ne, %sign3A_8, %sign3A_15 : i32
    %rem3A = arith.remsi %mul3A_2, %jit3A : i32
    %ne3A_16 = arith.constant 0 : i32
    %ne3A_17 = arith.cmpi ne, %rem3A, %ne3A_16 : i32
    %and3A = arith.andi %ne3A, %ne3A_17 : i1
    %sub3A = arith.constant 1 : i32
    %sub3A_18 = arith.subi %div3A, %sub3A : i32
    %select_n3A = arith.select %and3A, %sub3A_18, %div3A : i32
    %add3A_19 = arith.constant 1 : i32
    %add3A_20 = arith.addi %add3A, %add3A_19 : i32
    %mul3A_21 = arith.constant 79 : i32
    %mul3A_22 = arith.muli %add3A_20, %mul3A_21 : i32
    %jit3A_23 = arith.constant 32 : i32
    %div3A_24 = arith.divsi %mul3A_22, %jit3A_23 : i32
    %sign3A_25 = arith.constant 0 : i32
    %sign3A_26 = arith.cmpi sgt, %mul3A_22, %sign3A_25 : i32
    %sign3A_27 = arith.extui %sign3A_26 : i1 to i32
    %sign3A_28 = arith.constant 0 : i32
    %sign3A_29 = arith.cmpi slt, %mul3A_22, %sign3A_28 : i32
    %sign3A_30 = arith.extui %sign3A_29 : i1 to i32
    %sign3A_31 = arith.subi %sign3A_27, %sign3A_30 : i32
    %sign3A_32 = arith.constant 0 : i32
    %sign3A_33 = arith.cmpi sgt, %jit3A_23, %sign3A_32 : i32
    %sign3A_34 = arith.extui %sign3A_33 : i1 to i32
    %sign3A_35 = arith.constant 0 : i32
    %sign3A_36 = arith.cmpi slt, %jit3A_23, %sign3A_35 : i32
    %sign3A_37 = arith.extui %sign3A_36 : i1 to i32
    %sign3A_38 = arith.subi %sign3A_34, %sign3A_37 : i32
    %ne3A_39 = arith.cmpi ne, %sign3A_31, %sign3A_38 : i32
    %rem3A_40 = arith.remsi %mul3A_22, %jit3A_23 : i32
    %ne3A_41 = arith.constant 0 : i32
    %ne3A_42 = arith.cmpi ne, %rem3A_40, %ne3A_41 : i32
    %and3A_43 = arith.andi %ne3A_39, %ne3A_42 : i1
    %sub3A_44 = arith.constant 1 : i32
    %sub3A_45 = arith.subi %div3A_24, %sub3A_44 : i32
    %select_n3A_46 = arith.select %and3A_43, %sub3A_45, %div3A_24 : i32
    %while3A = arith.constant 0 : i32
    %while3A_47 = arith.subi %select_n3A_46, %select_n3A : i32
    %while3A_48 = arith.addi %select_n3A, %while3A_47 : i32
    %while3A_49 = arith.constant 1 : i32
    %while3A_50 = arith.divsi %while3A_47, %while3A_49 : i32
    %while3A_51 = arith.muli %while3A_50, %while3A_49 : i32
    %while3A_52 = arith.addi %select_n3A, %while3A_51 : i32
    %while3A_53 = arith.constant 1 : i32
    scf.for %while3A_55 = %select_n3A to %while3A_52 step %while3A_53  : i32 {
      %mul3A_56 = arith.constant 128 : i32
      %mul3A_57 = arith.muli %while3A_55, %mul3A_56 : i32
      %multiple_of3A = tpu.assume_multiple %mul3A_57, 128 : i32
      "tpu.region"() ({
        %run_scoped3A = tpu.sem_alloc : memref<!tpu.dma_semaphore, #tpu.memory_space<semaphore_mem>>
        %dma_start3A_62 = tpu.memref_slice %arg3[%multiple_of3A] : memref<10112xi32, #tpu.memory_space<hbm>> -> memref<128xi32, #tpu.memory_space<hbm>>
        %dma_start3A_63 = tpu.memref_slice %arg3[%multiple_of3A] : memref<10112xi32, #tpu.memory_space<hbm>> -> memref<128xi32, #tpu.memory_space<hbm>>
        tpu.enqueue_dma source(%dma_start3A_63 : memref<128xi32, #tpu.memory_space<hbm>>) target(%arg5 : memref<128xi32, #tpu.memory_space<vmem>>) target_semaphore(%run_scoped3A : memref<!tpu.dma_semaphore, #tpu.memory_space<semaphore_mem>>)
        %dma_wait3A_64 = tpu.memref_slice %arg3[%multiple_of3A] : memref<10112xi32, #tpu.memory_space<hbm>> -> memref<128xi32, #tpu.memory_space<hbm>>
        %dma_wait3A_65 = tpu.memref_slice %arg3[%multiple_of3A] : memref<10112xi32, #tpu.memory_space<hbm>> -> memref<128xi32, #tpu.memory_space<hbm>>
        tpu.wait_dma2 semaphore(%run_scoped3A : memref<!tpu.dma_semaphore, #tpu.memory_space<semaphore_mem>>) src(%dma_wait3A_65 : memref<128xi32, #tpu.memory_space<hbm>>) dst(%arg5 : memref<128xi32, #tpu.memory_space<vmem>>)
        tpu.yield
      }) : () -> ()
      %dma_start3A = arith.constant 0 : i32
      %dma_start3A_58 = arith.constant 0 : i32
      %dma_start3A_59 = tpu.memref_slice %arg2[%dma_start3A, %dma_start3A_58] : memref<100000x128xf32, #tpu.memory_space<hbm>> -> memref<100000x128xf32, #tpu.memory_space<hbm>>
      tpu.enqueue_indirect_dma source(%dma_start3A_59 : memref<100000x128xf32, #tpu.memory_space<hbm>>) target(%arg6 : memref<128x128xf32, #tpu.memory_space<vmem>>) offsets(%arg5 : memref<128xi32, #tpu.memory_space<vmem>>) semaphore(%arg7 : memref<!tpu.dma_semaphore, #tpu.memory_space<semaphore_mem>>)
      %dma_wait3A = arith.constant 0 : i32
      %dma_wait3A_60 = arith.constant 0 : i32
      %dma_wait3A_61 = tpu.memref_slice %arg2[%dma_wait3A, %dma_wait3A_60] : memref<100000x128xf32, #tpu.memory_space<hbm>> -> memref<100000x128xf32, #tpu.memory_space<hbm>>
      tpu.wait_indirect_dma semaphore(%arg7 : memref<!tpu.dma_semaphore, #tpu.memory_space<semaphore_mem>>) src(%dma_wait3A_61 : memref<100000x128xf32, #tpu.memory_space<hbm>>) dst(%arg6 : memref<128x128xf32, #tpu.memory_space<vmem>>)
      "tpu.region"() ({
        %run_scoped3A = tpu.sem_alloc : memref<!tpu.dma_semaphore, #tpu.memory_space<semaphore_mem>>
        %dma_start3A_62 = arith.constant 0 : i32
        %dma_start3A_63 = tpu.memref_slice %arg4[%multiple_of3A, %dma_start3A_62] : memref<10112x128xf32, #tpu.memory_space<hbm>> -> memref<128x128xf32, #tpu.memory_space<hbm>>
        %dma_start3A_64 = arith.constant 0 : i32
        %dma_start3A_65 = tpu.memref_slice %arg4[%multiple_of3A, %dma_start3A_64] : memref<10112x128xf32, #tpu.memory_space<hbm>> -> memref<128x128xf32, #tpu.memory_space<hbm>>
        tpu.enqueue_dma source(%arg6 : memref<128x128xf32, #tpu.memory_space<vmem>>) target(%dma_start3A_65 : memref<128x128xf32, #tpu.memory_space<hbm>>) target_semaphore(%run_scoped3A : memref<!tpu.dma_semaphore, #tpu.memory_space<semaphore_mem>>)
        %dma_wait3A_66 = arith.constant 0 : i32
        %dma_wait3A_67 = tpu.memref_slice %arg4[%multiple_of3A, %dma_wait3A_66] : memref<10112x128xf32, #tpu.memory_space<hbm>> -> memref<128x128xf32, #tpu.memory_space<hbm>>
        %dma_wait3A_68 = arith.constant 0 : i32
        %dma_wait3A_69 = tpu.memref_slice %arg4[%multiple_of3A, %dma_wait3A_68] : memref<10112x128xf32, #tpu.memory_space<hbm>> -> memref<128x128xf32, #tpu.memory_space<hbm>>
        tpu.wait_dma2 semaphore(%run_scoped3A : memref<!tpu.dma_semaphore, #tpu.memory_space<semaphore_mem>>) src(%arg6 : memref<128x128xf32, #tpu.memory_space<vmem>>) dst(%dma_wait3A_69 : memref<128x128xf32, #tpu.memory_space<hbm>>)
        tpu.yield
      }) : () -> ()
    }
    %while3A_54 = arith.constant 1 : i32
    scf.for %while3A_55 = %while3A_52 to %while3A_48 step %while3A_54  : i32 {
      %mul3A_56 = arith.constant 128 : i32
      %mul3A_57 = arith.muli %while3A_55, %mul3A_56 : i32
      %multiple_of3A = tpu.assume_multiple %mul3A_57, 128 : i32
      "tpu.region"() ({
        %run_scoped3A = tpu.sem_alloc : memref<!tpu.dma_semaphore, #tpu.memory_space<semaphore_mem>>
        %dma_start3A_62 = tpu.memref_slice %arg3[%multiple_of3A] : memref<10112xi32, #tpu.memory_space<hbm>> -> memref<128xi32, #tpu.memory_space<hbm>>
        %dma_start3A_63 = tpu.memref_slice %arg3[%multiple_of3A] : memref<10112xi32, #tpu.memory_space<hbm>> -> memref<128xi32, #tpu.memory_space<hbm>>
        tpu.enqueue_dma source(%dma_start3A_63 : memref<128xi32, #tpu.memory_space<hbm>>) target(%arg5 : memref<128xi32, #tpu.memory_space<vmem>>) target_semaphore(%run_scoped3A : memref<!tpu.dma_semaphore, #tpu.memory_space<semaphore_mem>>)
        %dma_wait3A_64 = tpu.memref_slice %arg3[%multiple_of3A] : memref<10112xi32, #tpu.memory_space<hbm>> -> memref<128xi32, #tpu.memory_space<hbm>>
        %dma_wait3A_65 = tpu.memref_slice %arg3[%multiple_of3A] : memref<10112xi32, #tpu.memory_space<hbm>> -> memref<128xi32, #tpu.memory_space<hbm>>
        tpu.wait_dma2 semaphore(%run_scoped3A : memref<!tpu.dma_semaphore, #tpu.memory_space<semaphore_mem>>) src(%dma_wait3A_65 : memref<128xi32, #tpu.memory_space<hbm>>) dst(%arg5 : memref<128xi32, #tpu.memory_space<vmem>>)
        tpu.yield
      }) : () -> ()
      %dma_start3A = arith.constant 0 : i32
      %dma_start3A_58 = arith.constant 0 : i32
      %dma_start3A_59 = tpu.memref_slice %arg2[%dma_start3A, %dma_start3A_58] : memref<100000x128xf32, #tpu.memory_space<hbm>> -> memref<100000x128xf32, #tpu.memory_space<hbm>>
      tpu.enqueue_indirect_dma source(%dma_start3A_59 : memref<100000x128xf32, #tpu.memory_space<hbm>>) target(%arg6 : memref<128x128xf32, #tpu.memory_space<vmem>>) offsets(%arg5 : memref<128xi32, #tpu.memory_space<vmem>>) semaphore(%arg7 : memref<!tpu.dma_semaphore, #tpu.memory_space<semaphore_mem>>)
      %dma_wait3A = arith.constant 0 : i32
      %dma_wait3A_60 = arith.constant 0 : i32
      %dma_wait3A_61 = tpu.memref_slice %arg2[%dma_wait3A, %dma_wait3A_60] : memref<100000x128xf32, #tpu.memory_space<hbm>> -> memref<100000x128xf32, #tpu.memory_space<hbm>>
      tpu.wait_indirect_dma semaphore(%arg7 : memref<!tpu.dma_semaphore, #tpu.memory_space<semaphore_mem>>) src(%dma_wait3A_61 : memref<100000x128xf32, #tpu.memory_space<hbm>>) dst(%arg6 : memref<128x128xf32, #tpu.memory_space<vmem>>)
      "tpu.region"() ({
        %run_scoped3A = tpu.sem_alloc : memref<!tpu.dma_semaphore, #tpu.memory_space<semaphore_mem>>
        %dma_start3A_62 = arith.constant 0 : i32
        %dma_start3A_63 = tpu.memref_slice %arg4[%multiple_of3A, %dma_start3A_62] : memref<10112x128xf32, #tpu.memory_space<hbm>> -> memref<128x128xf32, #tpu.memory_space<hbm>>
        %dma_start3A_64 = arith.constant 0 : i32
        %dma_start3A_65 = tpu.memref_slice %arg4[%multiple_of3A, %dma_start3A_64] : memref<10112x128xf32, #tpu.memory_space<hbm>> -> memref<128x128xf32, #tpu.memory_space<hbm>>
        tpu.enqueue_dma source(%arg6 : memref<128x128xf32, #tpu.memory_space<vmem>>) target(%dma_start3A_65 : memref<128x128xf32, #tpu.memory_space<hbm>>) target_semaphore(%run_scoped3A : memref<!tpu.dma_semaphore, #tpu.memory_space<semaphore_mem>>)
        %dma_wait3A_66 = arith.constant 0 : i32
        %dma_wait3A_67 = tpu.memref_slice %arg4[%multiple_of3A, %dma_wait3A_66] : memref<10112x128xf32, #tpu.memory_space<hbm>> -> memref<128x128xf32, #tpu.memory_space<hbm>>
        %dma_wait3A_68 = arith.constant 0 : i32
        %dma_wait3A_69 = tpu.memref_slice %arg4[%multiple_of3A, %dma_wait3A_68] : memref<10112x128xf32, #tpu.memory_space<hbm>> -> memref<128x128xf32, #tpu.memory_space<hbm>>
        tpu.wait_dma2 semaphore(%run_scoped3A : memref<!tpu.dma_semaphore, #tpu.memory_space<semaphore_mem>>) src(%arg6 : memref<128x128xf32, #tpu.memory_space<vmem>>) dst(%dma_wait3A_69 : memref<128x128xf32, #tpu.memory_space<hbm>>)
        tpu.yield
      }) : () -> ()
    }
    return
  }
}

#map = affine_map<(d0, d1) -> (0, 0)>
#map1 = affine_map<(d0, d1) -> (0)>
#map2 = affine_map<(d0, d1) -> (0, 0, 0)>
module attributes {stable_mosaic.version = 14 : i64} {
  func.func @_scatter_sc_body(%arg0: i32, %arg1: i32, %arg2: memref<10112x128xf32, #tpu.memory_space<hbm>>, %arg3: memref<323584xi32, #tpu.memory_space<hbm>>, %arg4: memref<323584xi32, #tpu.memory_space<hbm>>, %arg5: memref<10112x128xf32, #tpu.memory_space<hbm>>, %arg6: memref<2x10112x128xf32, #tpu.memory_space<hbm>>, %arg7: memref<128xi32, #tpu.memory_space<vmem>>, %arg8: memref<128xi32, #tpu.memory_space<vmem>>, %arg9: memref<128x128xf32, #tpu.memory_space<vmem>>, %arg10: memref<10112x128xf32, #tpu.memory_space<vmem_shared>>, %arg11: memref<!tpu.dma_semaphore, #tpu.memory_space<semaphore_mem>>) attributes {dimension_semantics = [#tpu.dimension_semantics<core_parallel>, #tpu.dimension_semantics<subcore_parallel>], iteration_bounds = array<i64: 2, 16>, scalar_prefetch = 0 : i64, scratch_operands = 5 : i64, tpu.core_type = #tpu.core_type<sc_vector_subcore>, window_params = [{transform_indices = #map}, {transform_indices = #map1}, {transform_indices = #map1}, {transform_indices = #map}, {transform_indices = #map2}]} {
    %mul3A = arith.constant 16 : i32
    %mul3A_0 = arith.muli %arg0, %mul3A : i32
    %add3A = arith.addi %mul3A_0, %arg1 : i32
    %mul3A_1 = arith.constant 632 : i32
    %mul3A_2 = arith.muli %arg1, %mul3A_1 : i32
    %mul3A_3 = arith.constant 632 : i32
    %mul3A_4 = arith.muli %arg1, %mul3A_3 : i32
    "tpu.region"() ({
      %run_scoped3A = tpu.sem_alloc : memref<!tpu.dma_semaphore, #tpu.memory_space<semaphore_mem>>
      %dma_start3A = arith.constant 0 : i32
      %dma_start3A_15 = tpu.memref_slice %arg10[%mul3A_4, %dma_start3A] : memref<10112x128xf32, #tpu.memory_space<vmem_shared>> -> memref<632x128xf32, #tpu.memory_space<vmem_shared>>
      %dma_start3A_16 = arith.constant 0 : i32
      %dma_start3A_17 = tpu.memref_slice %arg5[%mul3A_2, %dma_start3A_16] : memref<10112x128xf32, #tpu.memory_space<hbm>> -> memref<632x128xf32, #tpu.memory_space<hbm>>
      tpu.enqueue_dma source(%dma_start3A_17 : memref<632x128xf32, #tpu.memory_space<hbm>>) target(%dma_start3A_15 : memref<632x128xf32, #tpu.memory_space<vmem_shared>>) target_semaphore(%run_scoped3A : memref<!tpu.dma_semaphore, #tpu.memory_space<semaphore_mem>>)
      %dma_wait3A = arith.constant 0 : i32
      %dma_wait3A_18 = tpu.memref_slice %arg10[%mul3A_4, %dma_wait3A] : memref<10112x128xf32, #tpu.memory_space<vmem_shared>> -> memref<632x128xf32, #tpu.memory_space<vmem_shared>>
      %dma_wait3A_19 = arith.constant 0 : i32
      %dma_wait3A_20 = tpu.memref_slice %arg5[%mul3A_2, %dma_wait3A_19] : memref<10112x128xf32, #tpu.memory_space<hbm>> -> memref<632x128xf32, #tpu.memory_space<hbm>>
      tpu.wait_dma2 semaphore(%run_scoped3A : memref<!tpu.dma_semaphore, #tpu.memory_space<semaphore_mem>>) src(%dma_wait3A_20 : memref<632x128xf32, #tpu.memory_space<hbm>>) dst(%dma_wait3A_18 : memref<632x128xf32, #tpu.memory_space<vmem_shared>>)
      tpu.yield
    }) : () -> ()
    %barrier3A = arith.constant 0 : index
    tpu.barrier barrier_id(%barrier3A)
    %scan3A = arith.constant 0 : i32
    %scan3A_5 = arith.constant 0 : i32
    %scan3A_6 = arith.constant 79 : i32
    %scan3A_7 = arith.addi %scan3A_5, %scan3A_6 : i32
    %scan3A_8 = arith.constant 1 : i32
    scf.for %scan3A_15 = %scan3A_5 to %scan3A_7 step %scan3A_8  : i32 {
      %mul3A_16 = arith.constant 10112 : i32
      %mul3A_17 = arith.muli %add3A, %mul3A_16 : i32
      %mul3A_18 = arith.constant 128 : i32
      %mul3A_19 = arith.muli %scan3A_15, %mul3A_18 : i32
      %add3A_20 = arith.addi %mul3A_17, %mul3A_19 : i32
      %multiple_of3A = tpu.assume_multiple %add3A_20, 128 : i32
      "tpu.region"() ({
        %run_scoped3A = tpu.sem_alloc : memref<!tpu.dma_semaphore, #tpu.memory_space<semaphore_mem>>
        %dma_start3A_25 = tpu.memref_slice %arg3[%multiple_of3A] : memref<323584xi32, #tpu.memory_space<hbm>> -> memref<128xi32, #tpu.memory_space<hbm>>
        %dma_start3A_26 = tpu.memref_slice %arg3[%multiple_of3A] : memref<323584xi32, #tpu.memory_space<hbm>> -> memref<128xi32, #tpu.memory_space<hbm>>
        tpu.enqueue_dma source(%dma_start3A_26 : memref<128xi32, #tpu.memory_space<hbm>>) target(%arg7 : memref<128xi32, #tpu.memory_space<vmem>>) target_semaphore(%run_scoped3A : memref<!tpu.dma_semaphore, #tpu.memory_space<semaphore_mem>>)
        %dma_wait3A_27 = tpu.memref_slice %arg3[%multiple_of3A] : memref<323584xi32, #tpu.memory_space<hbm>> -> memref<128xi32, #tpu.memory_space<hbm>>
        %dma_wait3A_28 = tpu.memref_slice %arg3[%multiple_of3A] : memref<323584xi32, #tpu.memory_space<hbm>> -> memref<128xi32, #tpu.memory_space<hbm>>
        tpu.wait_dma2 semaphore(%run_scoped3A : memref<!tpu.dma_semaphore, #tpu.memory_space<semaphore_mem>>) src(%dma_wait3A_28 : memref<128xi32, #tpu.memory_space<hbm>>) dst(%arg7 : memref<128xi32, #tpu.memory_space<vmem>>)
        tpu.yield
      }) : () -> ()
      "tpu.region"() ({
        %run_scoped3A = tpu.sem_alloc : memref<!tpu.dma_semaphore, #tpu.memory_space<semaphore_mem>>
        %dma_start3A_25 = tpu.memref_slice %arg4[%multiple_of3A] : memref<323584xi32, #tpu.memory_space<hbm>> -> memref<128xi32, #tpu.memory_space<hbm>>
        %dma_start3A_26 = tpu.memref_slice %arg4[%multiple_of3A] : memref<323584xi32, #tpu.memory_space<hbm>> -> memref<128xi32, #tpu.memory_space<hbm>>
        tpu.enqueue_dma source(%dma_start3A_26 : memref<128xi32, #tpu.memory_space<hbm>>) target(%arg8 : memref<128xi32, #tpu.memory_space<vmem>>) target_semaphore(%run_scoped3A : memref<!tpu.dma_semaphore, #tpu.memory_space<semaphore_mem>>)
        %dma_wait3A_27 = tpu.memref_slice %arg4[%multiple_of3A] : memref<323584xi32, #tpu.memory_space<hbm>> -> memref<128xi32, #tpu.memory_space<hbm>>
        %dma_wait3A_28 = tpu.memref_slice %arg4[%multiple_of3A] : memref<323584xi32, #tpu.memory_space<hbm>> -> memref<128xi32, #tpu.memory_space<hbm>>
        tpu.wait_dma2 semaphore(%run_scoped3A : memref<!tpu.dma_semaphore, #tpu.memory_space<semaphore_mem>>) src(%dma_wait3A_28 : memref<128xi32, #tpu.memory_space<hbm>>) dst(%arg8 : memref<128xi32, #tpu.memory_space<vmem>>)
        tpu.yield
      }) : () -> ()
      %dma_start3A = arith.constant 0 : i32
      %dma_start3A_21 = arith.constant 0 : i32
      %dma_start3A_22 = tpu.memref_slice %arg2[%dma_start3A, %dma_start3A_21] : memref<10112x128xf32, #tpu.memory_space<hbm>> -> memref<10112x128xf32, #tpu.memory_space<hbm>>
      tpu.enqueue_indirect_dma source(%dma_start3A_22 : memref<10112x128xf32, #tpu.memory_space<hbm>>) target(%arg9 : memref<128x128xf32, #tpu.memory_space<vmem>>) offsets(%arg7 : memref<128xi32, #tpu.memory_space<vmem>>) semaphore(%arg11 : memref<!tpu.dma_semaphore, #tpu.memory_space<semaphore_mem>>)
      %dma_wait3A = arith.constant 0 : i32
      %dma_wait3A_23 = arith.constant 0 : i32
      %dma_wait3A_24 = tpu.memref_slice %arg2[%dma_wait3A, %dma_wait3A_23] : memref<10112x128xf32, #tpu.memory_space<hbm>> -> memref<10112x128xf32, #tpu.memory_space<hbm>>
      tpu.wait_indirect_dma semaphore(%arg11 : memref<!tpu.dma_semaphore, #tpu.memory_space<semaphore_mem>>) src(%dma_wait3A_24 : memref<10112x128xf32, #tpu.memory_space<hbm>>) dst(%arg9 : memref<128x128xf32, #tpu.memory_space<vmem>>)
      "tpu.region"() ({
        %run_scoped3A = tpu.sem_alloc : memref<!tpu.dma_semaphore, #tpu.memory_space<semaphore_mem>>
        %dma_start3A_25 = arith.constant 0 : i32
        %dma_start3A_26 = arith.constant 0 : i32
        %dma_start3A_27 = tpu.memref_slice %arg10[%dma_start3A_25, %dma_start3A_26] : memref<10112x128xf32, #tpu.memory_space<vmem_shared>> -> memref<10112x128xf32, #tpu.memory_space<vmem_shared>>
        tpu.enqueue_indirect_dma source(%arg9 : memref<128x128xf32, #tpu.memory_space<vmem>>) target(%dma_start3A_27 : memref<10112x128xf32, #tpu.memory_space<vmem_shared>>) offsets(%arg8 : memref<128xi32, #tpu.memory_space<vmem>>) semaphore(%run_scoped3A : memref<!tpu.dma_semaphore, #tpu.memory_space<semaphore_mem>>) {add = true}
        %dma_wait3A_28 = arith.constant 0 : i32
        %dma_wait3A_29 = arith.constant 0 : i32
        %dma_wait3A_30 = tpu.memref_slice %arg10[%dma_wait3A_28, %dma_wait3A_29] : memref<10112x128xf32, #tpu.memory_space<vmem_shared>> -> memref<10112x128xf32, #tpu.memory_space<vmem_shared>>
        tpu.wait_indirect_dma semaphore(%run_scoped3A : memref<!tpu.dma_semaphore, #tpu.memory_space<semaphore_mem>>) src(%arg9 : memref<128x128xf32, #tpu.memory_space<vmem>>) dst(%dma_wait3A_30 : memref<10112x128xf32, #tpu.memory_space<vmem_shared>>)
        tpu.yield
      }) : () -> ()
    }
    %scan3A_9 = arith.constant 79 : i32
    %barrier3A_10 = arith.constant 0 : index
    tpu.barrier barrier_id(%barrier3A_10)
    %mul3A_11 = arith.constant 632 : i32
    %mul3A_12 = arith.muli %arg1, %mul3A_11 : i32
    %mul3A_13 = arith.constant 632 : i32
    %mul3A_14 = arith.muli %arg1, %mul3A_13 : i32
    "tpu.region"() ({
      %run_scoped3A = tpu.sem_alloc : memref<!tpu.dma_semaphore, #tpu.memory_space<semaphore_mem>>
      %dma_start3A = arith.constant 0 : i32
      %dma_start3A_15 = tpu.memref_slice %arg6[%arg0, %mul3A_14, %dma_start3A] : memref<2x10112x128xf32, #tpu.memory_space<hbm>> -> memref<1x632x128xf32, #tpu.memory_space<hbm>>
      %dma_start3A_16 = tpu.memref_squeeze %dma_start3A_15 : memref<1x632x128xf32, #tpu.memory_space<hbm>> -> memref<632x128xf32, #tpu.memory_space<hbm>>
      %dma_start3A_17 = arith.constant 0 : i32
      %dma_start3A_18 = tpu.memref_slice %arg10[%mul3A_12, %dma_start3A_17] : memref<10112x128xf32, #tpu.memory_space<vmem_shared>> -> memref<632x128xf32, #tpu.memory_space<vmem_shared>>
      tpu.enqueue_dma source(%dma_start3A_18 : memref<632x128xf32, #tpu.memory_space<vmem_shared>>) target(%dma_start3A_16 : memref<632x128xf32, #tpu.memory_space<hbm>>) target_semaphore(%run_scoped3A : memref<!tpu.dma_semaphore, #tpu.memory_space<semaphore_mem>>)
      %dma_wait3A = arith.constant 0 : i32
      %dma_wait3A_19 = tpu.memref_slice %arg6[%arg0, %mul3A_14, %dma_wait3A] : memref<2x10112x128xf32, #tpu.memory_space<hbm>> -> memref<1x632x128xf32, #tpu.memory_space<hbm>>
      %dma_wait3A_20 = tpu.memref_squeeze %dma_wait3A_19 : memref<1x632x128xf32, #tpu.memory_space<hbm>> -> memref<632x128xf32, #tpu.memory_space<hbm>>
      %dma_wait3A_21 = arith.constant 0 : i32
      %dma_wait3A_22 = tpu.memref_slice %arg10[%mul3A_12, %dma_wait3A_21] : memref<10112x128xf32, #tpu.memory_space<vmem_shared>> -> memref<632x128xf32, #tpu.memory_space<vmem_shared>>
      tpu.wait_dma2 semaphore(%run_scoped3A : memref<!tpu.dma_semaphore, #tpu.memory_space<semaphore_mem>>) src(%dma_wait3A_22 : memref<632x128xf32, #tpu.memory_space<vmem_shared>>) dst(%dma_wait3A_20 : memref<632x128xf32, #tpu.memory_space<hbm>>)
      tpu.yield
    }) : () -> ()
    return
  }
}

#map = affine_map<(d0, d1) -> (0, 0)>
#map1 = affine_map<(d0, d1) -> (0)>
#map2 = affine_map<(d0, d1) -> (0, 0, 0)>
module attributes {stable_mosaic.version = 14 : i64} {
  func.func @_scatter_sc_body(%arg0: i32, %arg1: i32, %arg2: memref<10112x128xf32, #tpu.memory_space<hbm>>, %arg3: memref<323584xi32, #tpu.memory_space<hbm>>, %arg4: memref<323584xi32, #tpu.memory_space<hbm>>, %arg5: memref<10112x128xf32, #tpu.memory_space<hbm>>, %arg6: memref<2x10112x128xf32, #tpu.memory_space<hbm>>, %arg7: memref<128xi32, #tpu.memory_space<vmem>>, %arg8: memref<128xi32, #tpu.memory_space<vmem>>, %arg9: memref<128x128xf32, #tpu.memory_space<vmem>>, %arg10: memref<10112x128xf32, #tpu.memory_space<vmem_shared>>, %arg11: memref<!tpu.dma_semaphore, #tpu.memory_space<semaphore_mem>>) attributes {dimension_semantics = [#tpu.dimension_semantics<core_parallel>, #tpu.dimension_semantics<subcore_parallel>], iteration_bounds = array<i64: 2, 16>, scalar_prefetch = 0 : i64, scratch_operands = 5 : i64, tpu.core_type = #tpu.core_type<sc_vector_subcore>, window_params = [{transform_indices = #map}, {transform_indices = #map1}, {transform_indices = #map1}, {transform_indices = #map}, {transform_indices = #map2}]} {
    %mul3A = arith.constant 16 : i32
    %mul3A_0 = arith.muli %arg0, %mul3A : i32
    %add3A = arith.addi %mul3A_0, %arg1 : i32
    %mul3A_1 = arith.constant 632 : i32
    %mul3A_2 = arith.muli %arg1, %mul3A_1 : i32
    %mul3A_3 = arith.constant 632 : i32
    %mul3A_4 = arith.muli %arg1, %mul3A_3 : i32
    "tpu.region"() ({
      %run_scoped3A = tpu.sem_alloc : memref<!tpu.dma_semaphore, #tpu.memory_space<semaphore_mem>>
      %dma_start3A = arith.constant 0 : i32
      %dma_start3A_15 = tpu.memref_slice %arg10[%mul3A_4, %dma_start3A] : memref<10112x128xf32, #tpu.memory_space<vmem_shared>> -> memref<632x128xf32, #tpu.memory_space<vmem_shared>>
      %dma_start3A_16 = arith.constant 0 : i32
      %dma_start3A_17 = tpu.memref_slice %arg5[%mul3A_2, %dma_start3A_16] : memref<10112x128xf32, #tpu.memory_space<hbm>> -> memref<632x128xf32, #tpu.memory_space<hbm>>
      tpu.enqueue_dma source(%dma_start3A_17 : memref<632x128xf32, #tpu.memory_space<hbm>>) target(%dma_start3A_15 : memref<632x128xf32, #tpu.memory_space<vmem_shared>>) target_semaphore(%run_scoped3A : memref<!tpu.dma_semaphore, #tpu.memory_space<semaphore_mem>>)
      %dma_wait3A = arith.constant 0 : i32
      %dma_wait3A_18 = tpu.memref_slice %arg10[%mul3A_4, %dma_wait3A] : memref<10112x128xf32, #tpu.memory_space<vmem_shared>> -> memref<632x128xf32, #tpu.memory_space<vmem_shared>>
      %dma_wait3A_19 = arith.constant 0 : i32
      %dma_wait3A_20 = tpu.memref_slice %arg5[%mul3A_2, %dma_wait3A_19] : memref<10112x128xf32, #tpu.memory_space<hbm>> -> memref<632x128xf32, #tpu.memory_space<hbm>>
      tpu.wait_dma2 semaphore(%run_scoped3A : memref<!tpu.dma_semaphore, #tpu.memory_space<semaphore_mem>>) src(%dma_wait3A_20 : memref<632x128xf32, #tpu.memory_space<hbm>>) dst(%dma_wait3A_18 : memref<632x128xf32, #tpu.memory_space<vmem_shared>>)
      tpu.yield
    }) : () -> ()
    %barrier3A = arith.constant 0 : index
    tpu.barrier barrier_id(%barrier3A)
    %scan3A = arith.constant 0 : i32
    %scan3A_5 = arith.constant 0 : i32
    %scan3A_6 = arith.constant 79 : i32
    %scan3A_7 = arith.addi %scan3A_5, %scan3A_6 : i32
    %scan3A_8 = arith.constant 1 : i32
    scf.for %scan3A_15 = %scan3A_5 to %scan3A_7 step %scan3A_8  : i32 {
      %mul3A_16 = arith.constant 10112 : i32
      %mul3A_17 = arith.muli %add3A, %mul3A_16 : i32
      %mul3A_18 = arith.constant 128 : i32
      %mul3A_19 = arith.muli %scan3A_15, %mul3A_18 : i32
      %add3A_20 = arith.addi %mul3A_17, %mul3A_19 : i32
      %multiple_of3A = tpu.assume_multiple %add3A_20, 128 : i32
      "tpu.region"() ({
        %run_scoped3A = tpu.sem_alloc : memref<!tpu.dma_semaphore, #tpu.memory_space<semaphore_mem>>
        %dma_start3A_25 = tpu.memref_slice %arg3[%multiple_of3A] : memref<323584xi32, #tpu.memory_space<hbm>> -> memref<128xi32, #tpu.memory_space<hbm>>
        %dma_start3A_26 = tpu.memref_slice %arg3[%multiple_of3A] : memref<323584xi32, #tpu.memory_space<hbm>> -> memref<128xi32, #tpu.memory_space<hbm>>
        tpu.enqueue_dma source(%dma_start3A_26 : memref<128xi32, #tpu.memory_space<hbm>>) target(%arg7 : memref<128xi32, #tpu.memory_space<vmem>>) target_semaphore(%run_scoped3A : memref<!tpu.dma_semaphore, #tpu.memory_space<semaphore_mem>>)
        %dma_wait3A_27 = tpu.memref_slice %arg3[%multiple_of3A] : memref<323584xi32, #tpu.memory_space<hbm>> -> memref<128xi32, #tpu.memory_space<hbm>>
        %dma_wait3A_28 = tpu.memref_slice %arg3[%multiple_of3A] : memref<323584xi32, #tpu.memory_space<hbm>> -> memref<128xi32, #tpu.memory_space<hbm>>
        tpu.wait_dma2 semaphore(%run_scoped3A : memref<!tpu.dma_semaphore, #tpu.memory_space<semaphore_mem>>) src(%dma_wait3A_28 : memref<128xi32, #tpu.memory_space<hbm>>) dst(%arg7 : memref<128xi32, #tpu.memory_space<vmem>>)
        tpu.yield
      }) : () -> ()
      "tpu.region"() ({
        %run_scoped3A = tpu.sem_alloc : memref<!tpu.dma_semaphore, #tpu.memory_space<semaphore_mem>>
        %dma_start3A_25 = tpu.memref_slice %arg4[%multiple_of3A] : memref<323584xi32, #tpu.memory_space<hbm>> -> memref<128xi32, #tpu.memory_space<hbm>>
        %dma_start3A_26 = tpu.memref_slice %arg4[%multiple_of3A] : memref<323584xi32, #tpu.memory_space<hbm>> -> memref<128xi32, #tpu.memory_space<hbm>>
        tpu.enqueue_dma source(%dma_start3A_26 : memref<128xi32, #tpu.memory_space<hbm>>) target(%arg8 : memref<128xi32, #tpu.memory_space<vmem>>) target_semaphore(%run_scoped3A : memref<!tpu.dma_semaphore, #tpu.memory_space<semaphore_mem>>)
        %dma_wait3A_27 = tpu.memref_slice %arg4[%multiple_of3A] : memref<323584xi32, #tpu.memory_space<hbm>> -> memref<128xi32, #tpu.memory_space<hbm>>
        %dma_wait3A_28 = tpu.memref_slice %arg4[%multiple_of3A] : memref<323584xi32, #tpu.memory_space<hbm>> -> memref<128xi32, #tpu.memory_space<hbm>>
        tpu.wait_dma2 semaphore(%run_scoped3A : memref<!tpu.dma_semaphore, #tpu.memory_space<semaphore_mem>>) src(%dma_wait3A_28 : memref<128xi32, #tpu.memory_space<hbm>>) dst(%arg8 : memref<128xi32, #tpu.memory_space<vmem>>)
        tpu.yield
      }) : () -> ()
      %dma_start3A = arith.constant 0 : i32
      %dma_start3A_21 = arith.constant 0 : i32
      %dma_start3A_22 = tpu.memref_slice %arg2[%dma_start3A, %dma_start3A_21] : memref<10112x128xf32, #tpu.memory_space<hbm>> -> memref<10112x128xf32, #tpu.memory_space<hbm>>
      tpu.enqueue_indirect_dma source(%dma_start3A_22 : memref<10112x128xf32, #tpu.memory_space<hbm>>) target(%arg9 : memref<128x128xf32, #tpu.memory_space<vmem>>) offsets(%arg7 : memref<128xi32, #tpu.memory_space<vmem>>) semaphore(%arg11 : memref<!tpu.dma_semaphore, #tpu.memory_space<semaphore_mem>>)
      %dma_wait3A = arith.constant 0 : i32
      %dma_wait3A_23 = arith.constant 0 : i32
      %dma_wait3A_24 = tpu.memref_slice %arg2[%dma_wait3A, %dma_wait3A_23] : memref<10112x128xf32, #tpu.memory_space<hbm>> -> memref<10112x128xf32, #tpu.memory_space<hbm>>
      tpu.wait_indirect_dma semaphore(%arg11 : memref<!tpu.dma_semaphore, #tpu.memory_space<semaphore_mem>>) src(%dma_wait3A_24 : memref<10112x128xf32, #tpu.memory_space<hbm>>) dst(%arg9 : memref<128x128xf32, #tpu.memory_space<vmem>>)
      "tpu.region"() ({
        %run_scoped3A = tpu.sem_alloc : memref<!tpu.dma_semaphore, #tpu.memory_space<semaphore_mem>>
        %dma_start3A_25 = arith.constant 0 : i32
        %dma_start3A_26 = arith.constant 0 : i32
        %dma_start3A_27 = tpu.memref_slice %arg10[%dma_start3A_25, %dma_start3A_26] : memref<10112x128xf32, #tpu.memory_space<vmem_shared>> -> memref<10112x128xf32, #tpu.memory_space<vmem_shared>>
        tpu.enqueue_indirect_dma source(%arg9 : memref<128x128xf32, #tpu.memory_space<vmem>>) target(%dma_start3A_27 : memref<10112x128xf32, #tpu.memory_space<vmem_shared>>) offsets(%arg8 : memref<128xi32, #tpu.memory_space<vmem>>) semaphore(%run_scoped3A : memref<!tpu.dma_semaphore, #tpu.memory_space<semaphore_mem>>) {add = true}
        %dma_wait3A_28 = arith.constant 0 : i32
        %dma_wait3A_29 = arith.constant 0 : i32
        %dma_wait3A_30 = tpu.memref_slice %arg10[%dma_wait3A_28, %dma_wait3A_29] : memref<10112x128xf32, #tpu.memory_space<vmem_shared>> -> memref<10112x128xf32, #tpu.memory_space<vmem_shared>>
        tpu.wait_indirect_dma semaphore(%run_scoped3A : memref<!tpu.dma_semaphore, #tpu.memory_space<semaphore_mem>>) src(%arg9 : memref<128x128xf32, #tpu.memory_space<vmem>>) dst(%dma_wait3A_30 : memref<10112x128xf32, #tpu.memory_space<vmem_shared>>)
        tpu.yield
      }) : () -> ()
    }
    %scan3A_9 = arith.constant 79 : i32
    %barrier3A_10 = arith.constant 0 : index
    tpu.barrier barrier_id(%barrier3A_10)
    %mul3A_11 = arith.constant 632 : i32
    %mul3A_12 = arith.muli %arg1, %mul3A_11 : i32
    %mul3A_13 = arith.constant 632 : i32
    %mul3A_14 = arith.muli %arg1, %mul3A_13 : i32
    "tpu.region"() ({
      %run_scoped3A = tpu.sem_alloc : memref<!tpu.dma_semaphore, #tpu.memory_space<semaphore_mem>>
      %dma_start3A = arith.constant 0 : i32
      %dma_start3A_15 = tpu.memref_slice %arg6[%arg0, %mul3A_14, %dma_start3A] : memref<2x10112x128xf32, #tpu.memory_space<hbm>> -> memref<1x632x128xf32, #tpu.memory_space<hbm>>
      %dma_start3A_16 = tpu.memref_squeeze %dma_start3A_15 : memref<1x632x128xf32, #tpu.memory_space<hbm>> -> memref<632x128xf32, #tpu.memory_space<hbm>>
      %dma_start3A_17 = arith.constant 0 : i32
      %dma_start3A_18 = tpu.memref_slice %arg10[%mul3A_12, %dma_start3A_17] : memref<10112x128xf32, #tpu.memory_space<vmem_shared>> -> memref<632x128xf32, #tpu.memory_space<vmem_shared>>
      tpu.enqueue_dma source(%dma_start3A_18 : memref<632x128xf32, #tpu.memory_space<vmem_shared>>) target(%dma_start3A_16 : memref<632x128xf32, #tpu.memory_space<hbm>>) target_semaphore(%run_scoped3A : memref<!tpu.dma_semaphore, #tpu.memory_space<semaphore_mem>>)
      %dma_wait3A = arith.constant 0 : i32
      %dma_wait3A_19 = tpu.memref_slice %arg6[%arg0, %mul3A_14, %dma_wait3A] : memref<2x10112x128xf32, #tpu.memory_space<hbm>> -> memref<1x632x128xf32, #tpu.memory_space<hbm>>
      %dma_wait3A_20 = tpu.memref_squeeze %dma_wait3A_19 : memref<1x632x128xf32, #tpu.memory_space<hbm>> -> memref<632x128xf32, #tpu.memory_space<hbm>>
      %dma_wait3A_21 = arith.constant 0 : i32
      %dma_wait3A_22 = tpu.memref_slice %arg10[%mul3A_12, %dma_wait3A_21] : memref<10112x128xf32, #tpu.memory_space<vmem_shared>> -> memref<632x128xf32, #tpu.memory_space<vmem_shared>>
      tpu.wait_dma2 semaphore(%run_scoped3A : memref<!tpu.dma_semaphore, #tpu.memory_space<semaphore_mem>>) src(%dma_wait3A_22 : memref<632x128xf32, #tpu.memory_space<vmem_shared>>) dst(%dma_wait3A_20 : memref<632x128xf32, #tpu.memory_space<hbm>>)
      tpu.yield
    }) : () -> ()
    return
  }
}

module attributes {stable_mosaic.version = 14 : i64} {
  func.func @_mm_body(%arg0: i32, %arg1: memref<632x128xf32, #tpu.memory_space<vmem>>, %arg2: memref<128x128xf32, #tpu.memory_space<vmem>>, %arg3: memref<632x128xf32, #tpu.memory_space<vmem>>) attributes {dimension_semantics = [#tpu.dimension_semantics<arbitrary>], iteration_bounds = array<i64: 16>, scalar_prefetch = 0 : i64, scratch_operands = 0 : i64, tpu.core_type = #tpu.core_type<tc>, window_params = [{transform_indices = @transform_0, window_bounds = array<i64: 632, 128>}, {pipeline_mode = #tpu.pipeline_mode<synchronous>, transform_indices = @transform_1, window_bounds = array<i64: 128, 128>}, {transform_indices = @transform_2, window_bounds = array<i64: 632, 128>}]} {
    %get3A = arith.constant 0 : index
    %get3A_0 = arith.constant 0 : index
    %get3A_1 = vector.load %arg1[%get3A, %get3A_0] : memref<632x128xf32, #tpu.memory_space<vmem>>, vector<632x128xf32>
    %get3A_2 = arith.constant 0 : index
    %get3A_3 = arith.constant 0 : index
    %get3A_4 = vector.load %arg2[%get3A_2, %get3A_3] : memref<128x128xf32, #tpu.memory_space<vmem>>, vector<128x128xf32>
    %dot_general3A = arith.constant dense<0.000000e+00> : vector<632x128xf32>
    %dot_general3A_5 = tpu.matmul %get3A_1, %get3A_4, %dot_general3A {dimension_numbers = #tpu.dot_dimension_numbers<[1], [0], [0], [1], [0, 0, 1, 1], [], []>, transpose_lhs_hint = false} : vector<632x128xf32>, vector<128x128xf32>, vector<632x128xf32> -> vector<632x128xf32>
    %swap3A = arith.constant 0 : index
    %swap3A_6 = arith.constant 0 : index
    %swap3A_7 = vector.load %arg3[%swap3A, %swap3A_6] : memref<632x128xf32, #tpu.memory_space<vmem>>, vector<632x128xf32>
    tpu.vector_store %arg3[%swap3A, %swap3A_6], %dot_general3A_5 {strides = array<i32>} : memref<632x128xf32, #tpu.memory_space<vmem>>, vector<632x128xf32>,
    return
  }
  func.func @transform_0(%arg0: i32) -> (i32, i32) {
    %c0_i32 = arith.constant 0 : i32
    %c0_i32_0 = arith.constant 0 : i32
    return %arg0, %c0_i32 : i32, i32
  }
  func.func @transform_1(%arg0: i32) -> (i32, i32) {
    %c0_i32 = arith.constant 0 : i32
    %c0_i32_0 = arith.constant 0 : i32
    %c0_i32_1 = arith.constant 0 : i32
    return %c0_i32, %c0_i32_0 : i32, i32
  }
  func.func @transform_2(%arg0: i32) -> (i32, i32) {
    %c0_i32 = arith.constant 0 : i32
    %c0_i32_0 = arith.constant 0 : i32
    return %arg0, %c0_i32 : i32, i32
  }
}

module attributes {stable_mosaic.version = 14 : i64} {
  func.func @_gru_body(%arg0: i32, %arg1: memref<2x632x128xf32, #tpu.memory_space<vmem>>, %arg2: memref<632x128xf32, #tpu.memory_space<vmem>>, %arg3: memref<128x384xf32, #tpu.memory_space<vmem>>, %arg4: memref<128x384xf32, #tpu.memory_space<vmem>>, %arg5: memref<1x384xf32, #tpu.memory_space<vmem>>, %arg6: memref<1x384xf32, #tpu.memory_space<vmem>>, %arg7: memref<632x128xf32, #tpu.memory_space<vmem>>) attributes {dimension_semantics = [#tpu.dimension_semantics<arbitrary>], iteration_bounds = array<i64: 16>, scalar_prefetch = 0 : i64, scratch_operands = 0 : i64, tpu.core_type = #tpu.core_type<tc>, window_params = [{transform_indices = @transform_0, window_bounds = array<i64: 2, 632, 128>}, {transform_indices = @transform_1, window_bounds = array<i64: 632, 128>}, {pipeline_mode = #tpu.pipeline_mode<synchronous>, transform_indices = @transform_2, window_bounds = array<i64: 128, 384>}, {pipeline_mode = #tpu.pipeline_mode<synchronous>, transform_indices = @transform_3, window_bounds = array<i64: 128, 384>}, {pipeline_mode = #tpu.pipeline_mode<synchronous>, transform_indices = @transform_4, window_bounds = array<i64: 1, 384>}, {pipeline_mode = #tpu.pipeline_mode<synchronous>, transform_indices = @transform_5, window_bounds = array<i64: 1, 384>}, {transform_indices = @transform_6, window_bounds = array<i64: 632, 128>}]} {
    %get3A = arith.constant 0 : index
    %get3A_0 = arith.constant 0 : index
    %get3A_1 = arith.constant 0 : index
    %get3A_2 = vector.load %arg1[%get3A, %get3A_0, %get3A_1] : memref<2x632x128xf32, #tpu.memory_space<vmem>>, vector<1x632x128xf32>
    %get3A_3 = vector.shape_cast %get3A_2 : vector<1x632x128xf32> to vector<632x128xf32>
    %get3A_4 = arith.constant 1 : index
    %get3A_5 = arith.constant 0 : index
    %get3A_6 = arith.constant 0 : index
    %get3A_7 = vector.load %arg1[%get3A_4, %get3A_5, %get3A_6] : memref<2x632x128xf32, #tpu.memory_space<vmem>>, vector<1x632x128xf32>
    %get3A_8 = vector.shape_cast %get3A_7 : vector<1x632x128xf32> to vector<632x128xf32>
    %add3A = arith.addf %get3A_3, %get3A_8 : vector<632x128xf32>
    %get3A_9 = arith.constant 0 : index
    %get3A_10 = arith.constant 0 : index
    %get3A_11 = vector.load %arg2[%get3A_9, %get3A_10] : memref<632x128xf32, #tpu.memory_space<vmem>>, vector<632x128xf32>
    %get3A_12 = arith.constant 0 : index
    %get3A_13 = arith.constant 0 : index
    %get3A_14 = vector.load %arg3[%get3A_12, %get3A_13] : memref<128x384xf32, #tpu.memory_space<vmem>>, vector<128x384xf32>
    %dot_general3A = arith.constant dense<0.000000e+00> : vector<632x384xf32>
    %dot_general3A_15 = tpu.matmul %add3A, %get3A_14, %dot_general3A {dimension_numbers = #tpu.dot_dimension_numbers<[1], [0], [0], [1], [0, 0, 1, 1], [], []>, transpose_lhs_hint = false} : vector<632x128xf32>, vector<128x384xf32>, vector<632x384xf32> -> vector<632x384xf32>
    %get3A_16 = arith.constant 0 : index
    %get3A_17 = arith.constant 0 : index
    %get3A_18 = vector.load %arg5[%get3A_16, %get3A_17] : memref<1x384xf32, #tpu.memory_space<vmem>>, vector<1x384xf32>
    %add3A_19 = vector.broadcast %get3A_18 : vector<1x384xf32> to vector<632x384xf32>
    %add3A_20 = arith.addf %dot_general3A_15, %add3A_19 : vector<632x384xf32>
    %get3A_21 = arith.constant 0 : index
    %get3A_22 = arith.constant 0 : index
    %get3A_23 = vector.load %arg4[%get3A_21, %get3A_22] : memref<128x384xf32, #tpu.memory_space<vmem>>, vector<128x384xf32>
    %dot_general3A_24 = arith.constant dense<0.000000e+00> : vector<632x384xf32>
    %dot_general3A_25 = tpu.matmul %get3A_11, %get3A_23, %dot_general3A_24 {dimension_numbers = #tpu.dot_dimension_numbers<[1], [0], [0], [1], [0, 0, 1, 1], [], []>, transpose_lhs_hint = false} : vector<632x128xf32>, vector<128x384xf32>, vector<632x384xf32> -> vector<632x384xf32>
    %get3A_26 = arith.constant 0 : index
    %get3A_27 = arith.constant 0 : index
    %get3A_28 = vector.load %arg6[%get3A_26, %get3A_27] : memref<1x384xf32, #tpu.memory_space<vmem>>, vector<1x384xf32>
    %add3A_29 = vector.broadcast %get3A_28 : vector<1x384xf32> to vector<632x384xf32>
    %add3A_30 = arith.addf %dot_general3A_25, %add3A_29 : vector<632x384xf32>
    %slice3A = vector.extract_strided_slice %add3A_20 {offsets = [0, 0], sizes = [632, 128], strides = [1, 1]} : vector<632x384xf32> to vector<632x128xf32>
    %slice3A_31 = vector.extract_strided_slice %add3A_30 {offsets = [0, 0], sizes = [632, 128], strides = [1, 1]} : vector<632x384xf32> to vector<632x128xf32>
    %add3A_32 = arith.addf %slice3A, %slice3A_31 : vector<632x128xf32>
    %logistic3A = arith.negf %add3A_32 : vector<632x128xf32>
    %logistic3A_33 = math.exp %logistic3A : vector<632x128xf32>
    %logistic3A_34 = arith.constant 1.000000e+00 : f32
    %logistic3A_35 = vector.broadcast %logistic3A_34 : f32 to vector<632x128xf32>
    %logistic3A_36 = arith.addf %logistic3A_35, %logistic3A_33 : vector<632x128xf32>
    %logistic3A_37 = arith.divf %logistic3A_35, %logistic3A_36 : vector<632x128xf32>
    %slice3A_38 = vector.extract_strided_slice %add3A_20 {offsets = [0, 128], sizes = [632, 128], strides = [1, 1]} : vector<632x384xf32> to vector<632x128xf32>
    %slice3A_39 = vector.extract_strided_slice %add3A_30 {offsets = [0, 128], sizes = [632, 128], strides = [1, 1]} : vector<632x384xf32> to vector<632x128xf32>
    %add3A_40 = arith.addf %slice3A_38, %slice3A_39 : vector<632x128xf32>
    %logistic3A_41 = arith.negf %add3A_40 : vector<632x128xf32>
    %logistic3A_42 = math.exp %logistic3A_41 : vector<632x128xf32>
    %logistic3A_43 = arith.constant 1.000000e+00 : f32
    %logistic3A_44 = vector.broadcast %logistic3A_43 : f32 to vector<632x128xf32>
    %logistic3A_45 = arith.addf %logistic3A_44, %logistic3A_42 : vector<632x128xf32>
    %logistic3A_46 = arith.divf %logistic3A_44, %logistic3A_45 : vector<632x128xf32>
    %slice3A_47 = vector.extract_strided_slice %add3A_20 {offsets = [0, 256], sizes = [632, 128], strides = [1, 1]} : vector<632x384xf32> to vector<632x128xf32>
    %slice3A_48 = vector.extract_strided_slice %add3A_30 {offsets = [0, 256], sizes = [632, 128], strides = [1, 1]} : vector<632x384xf32> to vector<632x128xf32>
    %mul3A = arith.mulf %logistic3A_37, %slice3A_48 : vector<632x128xf32>
    %add3A_49 = arith.addf %slice3A_47, %mul3A : vector<632x128xf32>
    %tanh3A = math.tanh %add3A_49 : vector<632x128xf32>
    %sub3A = arith.constant 1.000000e+00 : f32
    %sub3A_50 = vector.broadcast %sub3A : f32 to vector<632x128xf32>
    %sub3A_51 = arith.subf %sub3A_50, %logistic3A_46 : vector<632x128xf32>
    %mul3A_52 = arith.mulf %sub3A_51, %tanh3A : vector<632x128xf32>
    %mul3A_53 = arith.mulf %logistic3A_46, %get3A_11 : vector<632x128xf32>
    %add3A_54 = arith.addf %mul3A_52, %mul3A_53 : vector<632x128xf32>
    %max3A = arith.constant 0.000000e+00 : f32
    %max3A_55 = vector.broadcast %max3A : f32 to vector<632x128xf32>
    %max3A_56 = arith.maximumf %add3A_54, %max3A_55 : vector<632x128xf32>
    %swap3A = arith.constant 0 : index
    %swap3A_57 = arith.constant 0 : index
    %swap3A_58 = vector.load %arg7[%swap3A, %swap3A_57] : memref<632x128xf32, #tpu.memory_space<vmem>>, vector<632x128xf32>
    tpu.vector_store %arg7[%swap3A, %swap3A_57], %max3A_56 {strides = array<i32>} : memref<632x128xf32, #tpu.memory_space<vmem>>, vector<632x128xf32>,
    return
  }
  func.func @transform_0(%arg0: i32) -> (i32, i32, i32) {
    %c0_i32 = arith.constant 0 : i32
    %c0_i32_0 = arith.constant 0 : i32
    %c0_i32_1 = arith.constant 0 : i32
    return %c0_i32, %arg0, %c0_i32_0 : i32, i32, i32
  }
  func.func @transform_1(%arg0: i32) -> (i32, i32) {
    %c0_i32 = arith.constant 0 : i32
    %c0_i32_0 = arith.constant 0 : i32
    return %arg0, %c0_i32 : i32, i32
  }
  func.func @transform_2(%arg0: i32) -> (i32, i32) {
    %c0_i32 = arith.constant 0 : i32
    %c0_i32_0 = arith.constant 0 : i32
    %c0_i32_1 = arith.constant 0 : i32
    return %c0_i32, %c0_i32_0 : i32, i32
  }
  func.func @transform_3(%arg0: i32) -> (i32, i32) {
    %c0_i32 = arith.constant 0 : i32
    %c0_i32_0 = arith.constant 0 : i32
    %c0_i32_1 = arith.constant 0 : i32
    return %c0_i32, %c0_i32_0 : i32, i32
  }
  func.func @transform_4(%arg0: i32) -> (i32, i32) {
    %c0_i32 = arith.constant 0 : i32
    %c0_i32_0 = arith.constant 0 : i32
    %c0_i32_1 = arith.constant 0 : i32
    return %c0_i32, %c0_i32_0 : i32, i32
  }
  func.func @transform_5(%arg0: i32) -> (i32, i32) {
    %c0_i32 = arith.constant 0 : i32
    %c0_i32_0 = arith.constant 0 : i32
    %c0_i32_1 = arith.constant 0 : i32
    return %c0_i32, %c0_i32_0 : i32, i32
  }
  func.func @transform_6(%arg0: i32) -> (i32, i32) {
    %c0_i32 = arith.constant 0 : i32
    %c0_i32_0 = arith.constant 0 : i32
    return %arg0, %c0_i32 : i32, i32
  }
}

module attributes {stable_mosaic.version = 14 : i64} {
  func.func @_gru_body(%arg0: i32, %arg1: memref<2x632x128xf32, #tpu.memory_space<vmem>>, %arg2: memref<632x128xf32, #tpu.memory_space<vmem>>, %arg3: memref<128x384xf32, #tpu.memory_space<vmem>>, %arg4: memref<128x384xf32, #tpu.memory_space<vmem>>, %arg5: memref<1x384xf32, #tpu.memory_space<vmem>>, %arg6: memref<1x384xf32, #tpu.memory_space<vmem>>, %arg7: memref<632x128xf32, #tpu.memory_space<vmem>>) attributes {dimension_semantics = [#tpu.dimension_semantics<arbitrary>], iteration_bounds = array<i64: 16>, scalar_prefetch = 0 : i64, scratch_operands = 0 : i64, tpu.core_type = #tpu.core_type<tc>, window_params = [{transform_indices = @transform_0, window_bounds = array<i64: 2, 632, 128>}, {transform_indices = @transform_1, window_bounds = array<i64: 632, 128>}, {pipeline_mode = #tpu.pipeline_mode<synchronous>, transform_indices = @transform_2, window_bounds = array<i64: 128, 384>}, {pipeline_mode = #tpu.pipeline_mode<synchronous>, transform_indices = @transform_3, window_bounds = array<i64: 128, 384>}, {pipeline_mode = #tpu.pipeline_mode<synchronous>, transform_indices = @transform_4, window_bounds = array<i64: 1, 384>}, {pipeline_mode = #tpu.pipeline_mode<synchronous>, transform_indices = @transform_5, window_bounds = array<i64: 1, 384>}, {transform_indices = @transform_6, window_bounds = array<i64: 632, 128>}]} {
    %get3A = arith.constant 0 : index
    %get3A_0 = arith.constant 0 : index
    %get3A_1 = arith.constant 0 : index
    %get3A_2 = vector.load %arg1[%get3A, %get3A_0, %get3A_1] : memref<2x632x128xf32, #tpu.memory_space<vmem>>, vector<1x632x128xf32>
    %get3A_3 = vector.shape_cast %get3A_2 : vector<1x632x128xf32> to vector<632x128xf32>
    %get3A_4 = arith.constant 1 : index
    %get3A_5 = arith.constant 0 : index
    %get3A_6 = arith.constant 0 : index
    %get3A_7 = vector.load %arg1[%get3A_4, %get3A_5, %get3A_6] : memref<2x632x128xf32, #tpu.memory_space<vmem>>, vector<1x632x128xf32>
    %get3A_8 = vector.shape_cast %get3A_7 : vector<1x632x128xf32> to vector<632x128xf32>
    %add3A = arith.addf %get3A_3, %get3A_8 : vector<632x128xf32>
    %get3A_9 = arith.constant 0 : index
    %get3A_10 = arith.constant 0 : index
    %get3A_11 = vector.load %arg2[%get3A_9, %get3A_10] : memref<632x128xf32, #tpu.memory_space<vmem>>, vector<632x128xf32>
    %get3A_12 = arith.constant 0 : index
    %get3A_13 = arith.constant 0 : index
    %get3A_14 = vector.load %arg3[%get3A_12, %get3A_13] : memref<128x384xf32, #tpu.memory_space<vmem>>, vector<128x384xf32>
    %dot_general3A = arith.constant dense<0.000000e+00> : vector<632x384xf32>
    %dot_general3A_15 = tpu.matmul %add3A, %get3A_14, %dot_general3A {dimension_numbers = #tpu.dot_dimension_numbers<[1], [0], [0], [1], [0, 0, 1, 1], [], []>, transpose_lhs_hint = false} : vector<632x128xf32>, vector<128x384xf32>, vector<632x384xf32> -> vector<632x384xf32>
    %get3A_16 = arith.constant 0 : index
    %get3A_17 = arith.constant 0 : index
    %get3A_18 = vector.load %arg5[%get3A_16, %get3A_17] : memref<1x384xf32, #tpu.memory_space<vmem>>, vector<1x384xf32>
    %add3A_19 = vector.broadcast %get3A_18 : vector<1x384xf32> to vector<632x384xf32>
    %add3A_20 = arith.addf %dot_general3A_15, %add3A_19 : vector<632x384xf32>
    %get3A_21 = arith.constant 0 : index
    %get3A_22 = arith.constant 0 : index
    %get3A_23 = vector.load %arg4[%get3A_21, %get3A_22] : memref<128x384xf32, #tpu.memory_space<vmem>>, vector<128x384xf32>
    %dot_general3A_24 = arith.constant dense<0.000000e+00> : vector<632x384xf32>
    %dot_general3A_25 = tpu.matmul %get3A_11, %get3A_23, %dot_general3A_24 {dimension_numbers = #tpu.dot_dimension_numbers<[1], [0], [0], [1], [0, 0, 1, 1], [], []>, transpose_lhs_hint = false} : vector<632x128xf32>, vector<128x384xf32>, vector<632x384xf32> -> vector<632x384xf32>
    %get3A_26 = arith.constant 0 : index
    %get3A_27 = arith.constant 0 : index
    %get3A_28 = vector.load %arg6[%get3A_26, %get3A_27] : memref<1x384xf32, #tpu.memory_space<vmem>>, vector<1x384xf32>
    %add3A_29 = vector.broadcast %get3A_28 : vector<1x384xf32> to vector<632x384xf32>
    %add3A_30 = arith.addf %dot_general3A_25, %add3A_29 : vector<632x384xf32>
    %slice3A = vector.extract_strided_slice %add3A_20 {offsets = [0, 0], sizes = [632, 128], strides = [1, 1]} : vector<632x384xf32> to vector<632x128xf32>
    %slice3A_31 = vector.extract_strided_slice %add3A_30 {offsets = [0, 0], sizes = [632, 128], strides = [1, 1]} : vector<632x384xf32> to vector<632x128xf32>
    %add3A_32 = arith.addf %slice3A, %slice3A_31 : vector<632x128xf32>
    %logistic3A = arith.negf %add3A_32 : vector<632x128xf32>
    %logistic3A_33 = math.exp %logistic3A : vector<632x128xf32>
    %logistic3A_34 = arith.constant 1.000000e+00 : f32
    %logistic3A_35 = vector.broadcast %logistic3A_34 : f32 to vector<632x128xf32>
    %logistic3A_36 = arith.addf %logistic3A_35, %logistic3A_33 : vector<632x128xf32>
    %logistic3A_37 = arith.divf %logistic3A_35, %logistic3A_36 : vector<632x128xf32>
    %slice3A_38 = vector.extract_strided_slice %add3A_20 {offsets = [0, 128], sizes = [632, 128], strides = [1, 1]} : vector<632x384xf32> to vector<632x128xf32>
    %slice3A_39 = vector.extract_strided_slice %add3A_30 {offsets = [0, 128], sizes = [632, 128], strides = [1, 1]} : vector<632x384xf32> to vector<632x128xf32>
    %add3A_40 = arith.addf %slice3A_38, %slice3A_39 : vector<632x128xf32>
    %logistic3A_41 = arith.negf %add3A_40 : vector<632x128xf32>
    %logistic3A_42 = math.exp %logistic3A_41 : vector<632x128xf32>
    %logistic3A_43 = arith.constant 1.000000e+00 : f32
    %logistic3A_44 = vector.broadcast %logistic3A_43 : f32 to vector<632x128xf32>
    %logistic3A_45 = arith.addf %logistic3A_44, %logistic3A_42 : vector<632x128xf32>
    %logistic3A_46 = arith.divf %logistic3A_44, %logistic3A_45 : vector<632x128xf32>
    %slice3A_47 = vector.extract_strided_slice %add3A_20 {offsets = [0, 256], sizes = [632, 128], strides = [1, 1]} : vector<632x384xf32> to vector<632x128xf32>
    %slice3A_48 = vector.extract_strided_slice %add3A_30 {offsets = [0, 256], sizes = [632, 128], strides = [1, 1]} : vector<632x384xf32> to vector<632x128xf32>
    %mul3A = arith.mulf %logistic3A_37, %slice3A_48 : vector<632x128xf32>
    %add3A_49 = arith.addf %slice3A_47, %mul3A : vector<632x128xf32>
    %tanh3A = math.tanh %add3A_49 : vector<632x128xf32>
    %sub3A = arith.constant 1.000000e+00 : f32
    %sub3A_50 = vector.broadcast %sub3A : f32 to vector<632x128xf32>
    %sub3A_51 = arith.subf %sub3A_50, %logistic3A_46 : vector<632x128xf32>
    %mul3A_52 = arith.mulf %sub3A_51, %tanh3A : vector<632x128xf32>
    %mul3A_53 = arith.mulf %logistic3A_46, %get3A_11 : vector<632x128xf32>
    %add3A_54 = arith.addf %mul3A_52, %mul3A_53 : vector<632x128xf32>
    %swap3A = arith.constant 0 : index
    %swap3A_55 = arith.constant 0 : index
    %swap3A_56 = vector.load %arg7[%swap3A, %swap3A_55] : memref<632x128xf32, #tpu.memory_space<vmem>>, vector<632x128xf32>
    tpu.vector_store %arg7[%swap3A, %swap3A_55], %add3A_54 {strides = array<i32>} : memref<632x128xf32, #tpu.memory_space<vmem>>, vector<632x128xf32>,
    return
  }
  func.func @transform_0(%arg0: i32) -> (i32, i32, i32) {
    %c0_i32 = arith.constant 0 : i32
    %c0_i32_0 = arith.constant 0 : i32
    %c0_i32_1 = arith.constant 0 : i32
    return %c0_i32, %arg0, %c0_i32_0 : i32, i32, i32
  }
  func.func @transform_1(%arg0: i32) -> (i32, i32) {
    %c0_i32 = arith.constant 0 : i32
    %c0_i32_0 = arith.constant 0 : i32
    return %arg0, %c0_i32 : i32, i32
  }
  func.func @transform_2(%arg0: i32) -> (i32, i32) {
    %c0_i32 = arith.constant 0 : i32
    %c0_i32_0 = arith.constant 0 : i32
    %c0_i32_1 = arith.constant 0 : i32
    return %c0_i32, %c0_i32_0 : i32, i32
  }
  func.func @transform_3(%arg0: i32) -> (i32, i32) {
    %c0_i32 = arith.constant 0 : i32
    %c0_i32_0 = arith.constant 0 : i32
    %c0_i32_1 = arith.constant 0 : i32
    return %c0_i32, %c0_i32_0 : i32, i32
  }
  func.func @transform_4(%arg0: i32) -> (i32, i32) {
    %c0_i32 = arith.constant 0 : i32
    %c0_i32_0 = arith.constant 0 : i32
    %c0_i32_1 = arith.constant 0 : i32
    return %c0_i32, %c0_i32_0 : i32, i32
  }
  func.func @transform_5(%arg0: i32) -> (i32, i32) {
    %c0_i32 = arith.constant 0 : i32
    %c0_i32_0 = arith.constant 0 : i32
    %c0_i32_1 = arith.constant 0 : i32
    return %c0_i32, %c0_i32_0 : i32, i32
  }
  func.func @transform_6(%arg0: i32) -> (i32, i32) {
    %c0_i32 = arith.constant 0 : i32
    %c0_i32_0 = arith.constant 0 : i32
    return %arg0, %c0_i32 : i32, i32
  }
}

</mosaic_0001>

<sc_bundles>
// kernel: kernel.12.cloned.1.call-start
scs
__scs_entry_jumppad:
0x0: {  	(pc) =	sbr.rel $0x88, $3  }
0x1: {  	(tag) =	ssettag $0x0;
	lr =	simm.s32 $0x1  }
0x2: {  	[smem:$0x3F99] =	sst lr;
	_ =	strace $0xD0000000  }
0x3: {  	_ = 	snop  }
0x4: {  	_ = 	snop  }
0x5: {  	_ = 	snop  }
0x6: {  	_ = 	snop  }
0x7: {  	_ = 	snop  }
__scs_overlays_trampoline_lowered:
0x8: {  	[smem:$0x3FA8] =	sst s0  }
0x9: {  	[smem:$0x3FA9] =	sst s1  }
0xa: {  	[smem:$0x3FAA] =	sst s2  }
0xb: {  	[smem:$0x3FAB] =	sst s3  }
0xc: {  	[smem:$0x3FAC] =	sst s4  }
0xd: {  	[smem:$0x3FAD] =	sst s5  }
0xe: {  	[smem:$0x3FAE] =	sst s6  }
0xf: {  	[smem:$0x3FAF] =	sst s7  }
0x10: {  	[smem:$0x3FB0] =	sst s8  }
0x11: {  	[smem:$0x3FB1] =	sst s9;
	s0 =	simm.s32 @!p0 $0x0  }
0x12: {  	s1 =	sld [smem:$0x3F97];
	s0 =	simm.s32 @p0 $0x1  }
0x13: {  	[smem:$0x3FB2] =	sst s0;
	s0 =	simm.s32 @!p1 $0x0  }
0x14: {  	s2 =	sld [smem:$0x3F96];
	s0 =	simm.s32 @p1 $0x1  }
0x15: {  	[smem:$0x3FB3] =	sst s0;
	s0 =	simm.s32 @!p2 $0x0  }
0x16: {  	s3 =	sld [smem:$0x3FDB];
	s0 =	simm.s32 @p2 $0x1  }
0x17: {  	s4 =	simm.s32 $0x1BF5;
	[smem:$0x3FB5] =	sst s0  }
0x18: {  	s0 =	sld [smem:$0x3F98];
	_ =	swait.ge [sflag:s4], $0x0  }
0x19: {  	s7 =	sld [smem:$0x3F99]  }
0x1a: {  	s8 =	sadd.s32 $0xFFFFE003, lr  }
0x1b: {  	s9 =	sadd.s32 $0xFFFFFEF7, lr;
	s5 =	simm.s32 $0xFFFFFFFF;
	p2 =	slt.u32 s8, $0xFFFFF086  }
0x1c: {  	p1 =	slt.u32 s9, $0xF7A;
	s5 =	simm.s32 @!p2 $0x0  }
0x1d: {  	s5 =	simm.s32 @p1 $0x1;
	p0 =	seq.s32 s7, s2  }
0x1e: {  	s7 =	smul.u32 @!p0 $0xF7A, s2;
	p2 =	seq.s32 @!p0 s5, $0x0  }
0x1f: {  	s9 =	smul.u32 $0xF7A, s1;
	s8 =	simm.s32 @!p0 $0x1BF5;
	p2 =	por !p2, p0  }
0x20: {  	[sflag:s8] =	ssyncset.s32 @!p0 $0xFFFFF086;
	s6 =	sadd.s32 @!p0 s3, s7;
	s7 =	simm.s32 @!p0 $0x108  }
0x21: {  	s3 =	sadd.s32 s3, s9;
	s6 =	sadd.s32 @!p0 $0x88, s6;
	s7 =	simm.s32 @p2 $0x1082  }
0x22: {  	[simem:s7], [sflag:s8] =	dma.local @!p0 [hbm:s6], $0xF7A  }
0x23: {  	s9 =	sor.u32 $0xD0000000, s2;
	s6 =	simm.s32 $0x108;
	_ =	swait.ge @!p0 [sflag:s8], $0x0  }
0x24: {  	s3 =	sadd.s32 $0x88, s3;
	s6 =	simm.s32 @!p1 $0x1082;
	[sflag:s4] =	ssyncset.s32 $0xFFFFF086  }
0x25: {  	[simem:s6], [sflag:s4] =	dma.local [hbm:s3], $0xF7A  }
0x26: {  	[smem:$0x3F99] =	sst s1;
	(tag) =	ssettag s2;
	_ =	strace s9  }
0x27: {  	s1 =	sld [smem:$0x3FA9]  }
0x28: {  	s2 =	sld [smem:$0x3FAA]  }
0x29: {  	s4 =	sld [smem:$0x3FAC]  }
0x2a: {  	p0 =	seq.s32 s5, $0x0;
	s5 =	sld [smem:$0x3FAD]  }
0x2b: {  	s6 =	sld [smem:$0x3FAE]  }
0x2c: {  	s7 =	sld [smem:$0x3FAF]  }
0x2d: {  	s3 =	simm.s32 $0x108;
	s8 =	sld [smem:$0x3FB0]  }
0x2e: {  	s3 =	simm.s32 @!p0 $0x1082;
	s9 =	sld [smem:$0x3FB1]  }
0x2f: {  	lr =	sadd.s32 s0, s3;
	s0 =	sld [smem:$0x3FA8]  }
0x30: {  	s3 =	sld [smem:$0x3FAB]  }
0x31: {  	[smem:$0x3FB4] =	sst s10  }
0x32: {  	s10 =	sld [smem:$0x3FB2];
	_ =	sdelay $0x3  }
0x33: {  	p0 =	seq.s32 s10, $0x1;
	s10 =	sld [smem:$0x3FB4];
	_ =	sdelay $0x3  }
0x34: {  	[smem:$0x3FB4] =	sst s10  }
0x35: {  	s10 =	sld [smem:$0x3FB3];
	_ =	sdelay $0x3  }
0x36: {  	p1 =	seq.s32 s10, $0x1;
	s10 =	sld [smem:$0x3FB4];
	_ =	sdelay $0x3  }
0x37: {  	[smem:$0x3FB4] =	sst s10  }
0x38: {  	s10 =	sld [smem:$0x3FB5]  }
0x39: {  	_ = 	snop;
	(pc) =	sbr.ind lr, $3  }
0x3a: {  	_ = 	snop  }
0x3b: {  	_ = 	snop  }
0x3c: {  	p2 =	seq.s32 s10, $0x1;
	s10 =	sld [smem:$0x3FB4]  }
0x3d: {  	_ =	shalt  }
0x3e: {  	_ =	shalt  }
0x3f: {  	_ =	shalt  }
0x40: {  	_ =	shalt  }
0x41: {  	_ =	shalt  }
0x42: {  	_ =	shalt  }
0x43: {  	_ =	shalt  }
0x44: {  	_ =	shalt  }
0x45: {  	_ =	shalt  }
0x46: {  	_ =	shalt  }
0x47: {  	_ =	shalt  }
0x48: {  	_ =	shalt  }
0x49: {  	_ =	shalt  }
0x4a: {  	_ =	shalt  }
0x4b: {  	_ =	shalt  }
0x4c: {  	_ =	shalt  }
0x4d: {  	_ =	shalt  }
0x4e: {  	_ =	shalt  }
0x4f: {  	_ =	shalt  }
0x50: {  	_ =	shalt  }
0x51: {  	_ =	shalt  }
0x52: {  	_ =	shalt  }
0x53: {  	_ =	shalt  }
0x54: {  	_ =	shalt  }
0x55: {  	_ =	shalt  }
0x56: {  	_ =	shalt  }
0x57: {  	_ =	shalt  }
0x58: {  	_ =	shalt  }
0x59: {  	_ =	shalt  }
0x5a: {  	_ =	shalt  }
0x5b: {  	_ =	shalt  }
0x5c: {  	_ =	shalt  }
0x5d: {  	_ =	shalt  }
0x5e: {  	_ =	shalt  }
0x5f: {  	_ =	shalt  }
0x60: {  	_ =	shalt  }
0x61: {  	_ =	shalt  }
0x62: {  	_ =	shalt  }
0x63: {  	_ =	shalt  }
0x64: {  	_ =	shalt  }
0x65: {  	_ =	shalt  }
0x66: {  	_ =	shalt  }
0x67: {  	_ =	shalt  }
0x68: {  	_ =	shalt  }
0x69: {  	_ =	shalt  }
0x6a: {  	_ =	shalt  }
0x6b: {  	_ =	shalt  }
0x6c: {  	_ =	shalt  }
0x6d: {  	_ =	shalt  }
0x6e: {  	_ =	shalt  }
0x6f: {  	_ =	shalt  }
0x70: {  	_ =	shalt  }
0x71: {  	_ =	shalt  }
0x72: {  	_ =	shalt  }
0x73: {  	_ =	shalt  }
0x74: {  	_ =	shalt  }
0x75: {  	_ =	shalt  }
0x76: {  	_ =	shalt  }
0x77: {  	_ =	shalt  }
0x78: {  	_ =	shalt  }
0x79: {  	_ =	shalt  }
0x7a: {  	_ =	shalt  }
0x7b: {  	_ =	shalt  }
0x7c: {  	_ =	shalt  }
0x7d: {  	_ =	shalt  }
0x7e: {  	_ =	shalt  }
0x7f: {  	_ =	shalt  }
0x80: {  	_ =	shalt  }
0x81: {  	_ =	shalt  }
0x82: {  	_ =	shalt  }
0x83: {  	_ =	shalt  }
0x84: {  	_ =	shalt  }
0x85: {  	_ =	shalt  }
0x86: {  	_ =	shalt  }
0x87: {  	_ =	shalt  }
.Lfunc_end0:
.L_simem_size_0:
called_computation_lowered:
.L_overlay_start_0:
0x88: {  	s2 =	sld [smem:$0x3FD9]  }
0x89: {  	s3 =	sld [smem:$0x3FFE];
	_ =	sdelay $0x1  }
0x8a: {  	s1 =	srdreg.scid  }
0x8b: {  	s0 =	sand.u32 $0x1, s1  }
0x8c: {  	s17 =	sshll.u32 s0, $0xA;
	s2 =	sadd.s32 s3, s2  }
0x8d: {  	s2 =	sadd.s32 s2, s17  }
0x8e: {  	[smem:$0x3FC0] =	sst s2  }
0x8f: {  	_ = 	snop  }
0x90: {  	s2 =	sld [smem:$0x3FC7];
	(tm) =	ssettm $0x1  }
0x91: {  	s18 =	sld [smem:$0x3FFB];
	_ =	sdelay $0x3  }
0x92: {  	_ =	strace s18  }
0x93: {  	s3 =	sld [smem:$0x3FFC];
	_ =	sdelay $0x3  }
0x94: {  	_ =	strace s3  }
0x95: {  	s3 =	sld [smem:$0x3FFD];
	_ =	sdelay $0x3  }
0x96: {  	_ =	strace s3  }
0x97: {  	_ =	strace $0x8FFFFFFF  }
0x98: {  	s19 =	sld [smem:$0x3FDB];
	_ =	sdelay $0x1  }
0x99: {  	s4 =	simm.s32 $_scs_section_size  }
0x9a: {  	s5 =	simm.s32 $_size__tile_overlayer_lowered;
	s6 =	simm.s32 $_tile_overlayer_lowered  }
0x9b: {  	s22 =	simm.s32 $0x1BFF;
	s21 =	sshll.u32 s6, $0x1;
	s3 =	sadd.s32 s4, s19  }
0x9c: {  	s7 =	simm.s32 $0x0;
	s20 =	sshll.u32 s5, $0x1;
	s5 =	sadd.s32 s21, s3  }
0x9d: {  	[timem:s7], [sflag:s22] =	dma.local [hbm:s5], s20  }
0x9e: {  	_ =	swait.ge [sflag:s22], s20  }
0x9f: {  	s4 =	ssub.s32 $0x0, s20;
	[sflag:s22] =	ssyncset.done $0x0  }
0xa0: {  	[sflag:s22] =	ssyncadd.s32 s4;
	_ =	sdelay $0x1  }
0xa1: {  	s23 =	simm.s32 $0x1B8B  }
0xa2: {  	_ =	swait.ge [sflag:s23], $0x1  }
0xa3: {  	[sflag:s23] =	ssyncset.done $0x0  }
0xa4: {  	s25 =	simm.s32 $0x1B8E;
	s24 =	sld [smem:$0x3FFE];
	[sflag:s23] =	ssyncadd.s32 $0xFFFFFFFF  }
0xa5: {  	s26 =	simm.s32 $execute0_lowered;
	[smem:$0x3FD2] =	sst s25  }
0xa6: {  	s5 =	sshll.u32 s26, $0x1;
	_ =	strace $0x80000046;
	[dreg:$0x1] =	wrdreg $0xFFFFFFFF  }
0xa7: {  	s28 =	simm.s32 $_size_execute0_lowered;
	s3 =	sadd.s32 s3, s5;
	[dreg:$0x0] =	wrdreg $0x0  }
0xa8: {  	s5 =	sshll.u32 s28, $0x1;
	[dreg:$0x2] =	wrdreg s3  }
0xa9: {  	[dreg:$0x3] =	wrdreg s5  }
0xaa: {  	[dreg:$0x4] =	wrdreg $0xC0  }
0xab: {  	_ =	task [dreg:s7], $0x5FFFF  }
0xac: {  	[dreg:$0x1] =	wrdreg $0xFFFFFFFF  }
0xad: {  	[dreg:$0x0] =	wrdreg $0x60  }
0xae: {  	[dreg:$0x2] =	wrdreg s2  }
0xaf: {  	[dreg:$0x3] =	wrdreg s24  }
0xb0: {  	[dreg:$0x4] =	wrdreg $0x9  }
0xb1: {  	_ =	task.clear_ibuf [dreg:s7], $0x5FFFF;
	_ =	strace $0x90000046  }
0xb2: {  	s29 =	simm.s32 $0x9;
	_ =	strace $0x80000048  }
0xb3: {  	_ =	swait.ge [sflag:s29], $0x1  }
0xb4: {  	[sflag:s29] =	ssyncadd.s32 $0xFFFFFFFF  }
0xb5: {  	_ =	strace $0x90000048  }
0xb6: {  	_ =	sfence  }
0xb7: {  	s30 =	sld [smem:$0x0];
	_ =	sdelay $0x2  }
0xb8: {  	s31 =	sshll.u32 s1, $0xD;
	s1 =	sshrl.u32 s1, $0x2  }
0xb9: {  	s3 =	sand.u32 $0x4000, s31;
	s1 =	sadd.s32 s1, s30  }
0xba: {  	s0 =	sor.u32 s3, s0;
	s1 =	sshll.u32 s1, $0x11  }
0xbb: {  	s0 =	sor.u32 s1, s0  }
0xbc: {  	s0 =	sadd.s32 $0x8F2B, s0  }
0xbd: {  	[sflag:s0] =	ssyncadd.remote.s32 $0x1  }
0xbe: {  	_ =	sfence.sel $0xFFFF  }
0xbf: {  	[dreg:$0x0] =	wrdreg $0xFFFFFFFF;
	(pc) =	sbr.abs _section_cstart, $3  }
0xc0: {  	[dreg:$0x1] =	wrdreg $0xFFFFFFFF  }
0xc1: {  	_ =	task.clear_ibuf [dreg:s7], $0x2FFFF;
	_ =	strace $0x9FFFFFFF  }
0xc2: {  	(tm) =	ssettm $0x7FFFFFFF  }
0xc3: {  	_ =	shalt  }
tec
execute0_lowered:
.L_overlay_start_1:
0x0: {  	(tag) =	ssettag $0x1  }
0x1: {  	s0 =	srdreg.scid  }
0x2: {  	s4 =	sand.u32 $0x1, s0  }
0x3: {  	s0 =	stileid.u32;
	s1 =	sshll.u32 s4, $0x4  }
0x4: {  	s1 =	sor.u32 s0, s1  }
0x5: {  	s6 =	smul.u32 $0x4F, s1;
	_ =	sdelay $0x1  }
0x6: {  	s7 =	sadd.s32 $0x4F, s6  }
0x7: {  	s6 =	sshrl.u32 s6, $0x5;
	s7 =	sshrl.u32 s7, $0x5  }
0x8: {  	p0 =	sle.u32 s7, s6  }
.Ltmp0:
0x9: {  	_ = 	snop;
	(pc) =	sbr.rel @p0 .LBB2_5-.Ltmp0, $4  }
0xa: {  	s2 =	rddreg [dreg:$0x0]  }
0xb: {  	s5 =	rddreg [dreg:$0x1];
	s3 =	simm.s32 $0x0  }
0xc: {  	[smem:$0x7FF] =	sst s3  }
0xd: {  	s1 =	rddreg [dreg:$0x2];
	_ =	strace $0x80000047  }
0xe: {  	s4 =	ssub.s32 $0x2, s4;
	s30 =	sadd.s32 $0x2400, s5;
	s9 =	sadd.s32 $0x2A00, s5  }
0xf: {  	s5 =	ssub.s32 s7, s6;
	s31 =	sshll.u32 s6, $0xB;
	s10 =	sshll.u32 s6, $0x4  }
0x10: {  	s11 =	simm.s32 $0x0;
	s8 =	sshrl.u32 s4, $0x1;
	s6 =	sadd.s32 s31, s9  }
0x11: {  	s7 =	sadd.s32 s10, s30;
	s9 =	simm.s32 $0x80;
	s4 =	ssub.s32 s4, s8  }
0x12: {  	s10 =	simm.s32 $0x1;
	s8 =	simm.s32 $0x2;
	s4 =	smax.u32 s4, $0x1  }
.LBB2_2:
0x13: {  	[tilespmem:s3], [sflag:$0x2] =	stream.linear.gather [hbm4b:s7+s3], $0x80, $0x38;
	[tilespmem:$0x4080] =	vst v63  }
0x14: {  	_ =	swait.ge [sflag:s8], $0x80  }
0x15: {  	[sflag:s8] =	ssyncset.done $0x0  }
0x16: {  	[sflag:s8] =	ssyncadd.s32 $0xFFFFFF80  }
0x17: {  	[tilespmem:s9], [sflag:$0x1] =	stream.indirect.gather [hbm4b:s2+s9], $0x80, s3, s9, $0xb8;
	[tilespmem:$0x4080] =	vst v63  }
0x18: {  	p0 =	sne.s32 s5, $0x1;
	_ =	swait.ge [sflag:s10], $0x4000  }
.Ltmp1:
0x19: {  	[sflag:s10] =	ssyncset.done $0x0;
	(pc) =	sbr.rel @!p0 .LBB2_4-.Ltmp1, $4  }
0x1a: {  	[sflag:s10] =	ssyncadd.s32 $0xFFFFC000  }
0x1b: {  	[hbm4b:s6+s3] =	stream.linear.scatter [tilespmem:s9], [sflag:$0x2], $0x4000, $0x38;
	[tilespmem:$0x4080] =	vst v63  }
0x1c: {  	s12 =	sadd.s32 $0xFFFFFFFF, s5;
	_ =	swait.ge [sflag:s8], $0x4000  }
0x1d: {  	s13 =	smov.u32 s6;
	s14 =	smov.u32 s7;
	[sflag:s8] =	ssyncset.done $0x0  }
.LBB2_3:
0x1e: {  	[sflag:s8] =	ssyncadd.s32 $0xFFFFC000;
	s13 =	sadd.s32 $0x800, s13;
	s14 =	sadd.s32 $0x10, s14  }
0x1f: {  	[tilespmem:s3], [sflag:$0x2] =	stream.linear.gather [hbm4b:s14+s3], $0x80, $0x38;
	[tilespmem:$0x4080] =	vst v63  }
0x20: {  	p0 =	sne.s32 s12, $0x1;
	s12 =	sadd.s32 $0xFFFFFFFF, s12;
	_ =	swait.ge [sflag:s8], $0x80  }
0x21: {  	[sflag:s8] =	ssyncset.done $0x0  }
0x22: {  	[sflag:s8] =	ssyncadd.s32 $0xFFFFFF80  }
0x23: {  	[tilespmem:s9], [sflag:$0x1] =	stream.indirect.gather [hbm4b:s2+s9], $0x80, s3, s9, $0xb8;
	[tilespmem:$0x4080] =	vst v63  }
0x24: {  	_ =	swait.ge [sflag:s10], $0x4000  }
.Ltmp2:
0x25: {  	[sflag:s10] =	ssyncset.done $0x0;
	(pc) =	sbr.rel @p0 .LBB2_3-.Ltmp2, $4  }
0x26: {  	[sflag:s10] =	ssyncadd.s32 $0xFFFFC000  }
0x27: {  	[hbm4b:s13+s3] =	stream.linear.scatter [tilespmem:s9], [sflag:$0x2], $0x4000, $0x38;
	[tilespmem:$0x4080] =	vst v63  }
0x28: {  	_ =	swait.ge [sflag:s8], $0x4000  }
0x29: {  	[sflag:s8] =	ssyncset.done $0x0  }
.LBB2_4:
0x2a: {  	s11 =	sadd.s32 $0x1, s11  }
0x2b: {  	p0 =	sne.s32 s11, s4  }
.Ltmp3:
0x2c: {  	_ = 	snop;
	(pc) =	sbr.rel @p0 .LBB2_2-.Ltmp3, $2  }
0x2d: {  	_ =	sdelay $0x2  }
0x2e: {  	[sflag:s8] =	ssyncadd.s32 $0xFFFFC000  }
.LBB2_5:
0x2f: {  	_ =	sfence.sel $0x180000  }
0x30: {  	[bflag:$0x0] =	sbarrier.arrive $0xFFFF  }
0x31: {  	p0 =	sne.s32 s0, $0x0;
	_ =	strace $0x90000047  }
0x32: {  	s0 =	sadd.s32 @!p0 $0x100000, s1;
	[bflag:$0x2] =	sbarrier.arrive $0xFFFF  }
0x33: {  	[sflag:s0] =	ssyncadd.tile.s32 @!p0 $0x1;
	_ =	shalt  }
.Lfunc_end2:
_tile_overlayer_lowered:
.L_overlay_start_2:
0x34: {  	(tag) =	ssettag $0x2  }
0x35: {  	s0 =	rddreg [dreg:$0x0];
	s2 =	stileid.u32  }
0x36: {  	s1 =	rddreg [dreg:$0x1];
	p0 =	sne.s32 s2, $0x0  }
0x37: {  	s3 =	rddreg [dreg:$0x2];
	[bflag:$0x3] =	sbarrier.arrive $0xFFFF;
	s2 =	simm.s32 @!p0 $0x1C02  }
0x38: {  	[timem:s3], [sflag:s2] =	dma.local @!p0 [hbm:s0], s1  }
0x39: {  	s0 =	simm.s32 @!p0 $0x2  }
0x3a: {  	_ =	swait.ge @!p0 [sflag:s0], s1  }
0x3b: {  	s1 =	ssub.s32 @!p0 $0x0, s1;
	[sflag:s0] =	ssyncset.done @!p0 $0x0  }
0x3c: {  	[sflag:s0] =	ssyncadd.s32 @!p0 s1  }
0x3d: {  	[bflag:$0x3] =	sbarrier.arrive $0xFFFF  }
0x3e: {  	_ =	shalt  }

// kernel: kernel.15.cloned.1.call-start
scs
__scs_entry_jumppad:
0x0: {  	(pc) =	sbr.rel $0x88, $3  }
0x1: {  	(tag) =	ssettag $0x0;
	lr =	simm.s32 $0x1  }
0x2: {  	[smem:$0x3F99] =	sst lr;
	_ =	strace $0xD0000000  }
0x3: {  	_ = 	snop  }
0x4: {  	_ = 	snop  }
0x5: {  	_ = 	snop  }
0x6: {  	_ = 	snop  }
0x7: {  	_ = 	snop  }
__scs_overlays_trampoline_lowered:
0x8: {  	[smem:$0x3FA8] =	sst s0  }
0x9: {  	[smem:$0x3FA9] =	sst s1  }
0xa: {  	[smem:$0x3FAA] =	sst s2  }
0xb: {  	[smem:$0x3FAB] =	sst s3  }
0xc: {  	[smem:$0x3FAC] =	sst s4  }
0xd: {  	[smem:$0x3FAD] =	sst s5  }
0xe: {  	[smem:$0x3FAE] =	sst s6  }
0xf: {  	[smem:$0x3FAF] =	sst s7  }
0x10: {  	[smem:$0x3FB0] =	sst s8  }
0x11: {  	[smem:$0x3FB1] =	sst s9;
	s0 =	simm.s32 @!p0 $0x0  }
0x12: {  	s1 =	sld [smem:$0x3F97];
	s0 =	simm.s32 @p0 $0x1  }
0x13: {  	[smem:$0x3FB2] =	sst s0;
	s0 =	simm.s32 @!p1 $0x0  }
0x14: {  	s2 =	sld [smem:$0x3F96];
	s0 =	simm.s32 @p1 $0x1  }
0x15: {  	[smem:$0x3FB3] =	sst s0;
	s0 =	simm.s32 @!p2 $0x0  }
0x16: {  	s3 =	sld [smem:$0x3FDB];
	s0 =	simm.s32 @p2 $0x1  }
0x17: {  	s4 =	simm.s32 $0x1BF5;
	[smem:$0x3FB5] =	sst s0  }
0x18: {  	s0 =	sld [smem:$0x3F98];
	_ =	swait.ge [sflag:s4], $0x0  }
0x19: {  	s7 =	sld [smem:$0x3F99]  }
0x1a: {  	s8 =	sadd.s32 $0xFFFFE003, lr  }
0x1b: {  	s9 =	sadd.s32 $0xFFFFFEF7, lr;
	s5 =	simm.s32 $0xFFFFFFFF;
	p2 =	slt.u32 s8, $0xFFFFF086  }
0x1c: {  	p1 =	slt.u32 s9, $0xF7A;
	s5 =	simm.s32 @!p2 $0x0  }
0x1d: {  	s5 =	simm.s32 @p1 $0x1;
	p0 =	seq.s32 s7, s2  }
0x1e: {  	s7 =	smul.u32 @!p0 $0xF7A, s2;
	p2 =	seq.s32 @!p0 s5, $0x0  }
0x1f: {  	s9 =	smul.u32 $0xF7A, s1;
	s8 =	simm.s32 @!p0 $0x1BF5;
	p2 =	por !p2, p0  }
0x20: {  	[sflag:s8] =	ssyncset.s32 @!p0 $0xFFFFF086;
	s6 =	sadd.s32 @!p0 s3, s7;
	s7 =	simm.s32 @!p0 $0x108  }
0x21: {  	s3 =	sadd.s32 s3, s9;
	s6 =	sadd.s32 @!p0 $0x88, s6;
	s7 =	simm.s32 @p2 $0x1082  }
0x22: {  	[simem:s7], [sflag:s8] =	dma.local @!p0 [hbm:s6], $0xF7A  }
0x23: {  	s9 =	sor.u32 $0xD0000000, s2;
	s6 =	simm.s32 $0x108;
	_ =	swait.ge @!p0 [sflag:s8], $0x0  }
0x24: {  	s3 =	sadd.s32 $0x88, s3;
	s6 =	simm.s32 @!p1 $0x1082;
	[sflag:s4] =	ssyncset.s32 $0xFFFFF086  }
0x25: {  	[simem:s6], [sflag:s4] =	dma.local [hbm:s3], $0xF7A  }
0x26: {  	[smem:$0x3F99] =	sst s1;
	(tag) =	ssettag s2;
	_ =	strace s9  }
0x27: {  	s1 =	sld [smem:$0x3FA9]  }
0x28: {  	s2 =	sld [smem:$0x3FAA]  }
0x29: {  	s4 =	sld [smem:$0x3FAC]  }
0x2a: {  	p0 =	seq.s32 s5, $0x0;
	s5 =	sld [smem:$0x3FAD]  }
0x2b: {  	s6 =	sld [smem:$0x3FAE]  }
0x2c: {  	s7 =	sld [smem:$0x3FAF]  }
0x2d: {  	s3 =	simm.s32 $0x108;
	s8 =	sld [smem:$0x3FB0]  }
0x2e: {  	s3 =	simm.s32 @!p0 $0x1082;
	s9 =	sld [smem:$0x3FB1]  }
0x2f: {  	lr =	sadd.s32 s0, s3;
	s0 =	sld [smem:$0x3FA8]  }
0x30: {  	s3 =	sld [smem:$0x3FAB]  }
0x31: {  	[smem:$0x3FB4] =	sst s10  }
0x32: {  	s10 =	sld [smem:$0x3FB2];
	_ =	sdelay $0x3  }
0x33: {  	p0 =	seq.s32 s10, $0x1;
	s10 =	sld [smem:$0x3FB4];
	_ =	sdelay $0x3  }
0x34: {  	[smem:$0x3FB4] =	sst s10  }
0x35: {  	s10 =	sld [smem:$0x3FB3];
	_ =	sdelay $0x3  }
0x36: {  	p1 =	seq.s32 s10, $0x1;
	s10 =	sld [smem:$0x3FB4];
	_ =	sdelay $0x3  }
0x37: {  	[smem:$0x3FB4] =	sst s10  }
0x38: {  	s10 =	sld [smem:$0x3FB5]  }
0x39: {  	_ = 	snop;
	(pc) =	sbr.ind lr, $3  }
0x3a: {  	_ = 	snop  }
0x3b: {  	_ = 	snop  }
0x3c: {  	p2 =	seq.s32 s10, $0x1;
	s10 =	sld [smem:$0x3FB4]  }
0x3d: {  	_ =	shalt  }
0x3e: {  	_ =	shalt  }
0x3f: {  	_ =	shalt  }
0x40: {  	_ =	shalt  }
0x41: {  	_ =	shalt  }
0x42: {  	_ =	shalt  }
0x43: {  	_ =	shalt  }
0x44: {  	_ =	shalt  }
0x45: {  	_ =	shalt  }
0x46: {  	_ =	shalt  }
0x47: {  	_ =	shalt  }
0x48: {  	_ =	shalt  }
0x49: {  	_ =	shalt  }
0x4a: {  	_ =	shalt  }
0x4b: {  	_ =	shalt  }
0x4c: {  	_ =	shalt  }
0x4d: {  	_ =	shalt  }
0x4e: {  	_ =	shalt  }
0x4f: {  	_ =	shalt  }
0x50: {  	_ =	shalt  }
0x51: {  	_ =	shalt  }
0x52: {  	_ =	shalt  }
0x53: {  	_ =	shalt  }
0x54: {  	_ =	shalt  }
0x55: {  	_ =	shalt  }
0x56: {  	_ =	shalt  }
0x57: {  	_ =	shalt  }
0x58: {  	_ =	shalt  }
0x59: {  	_ =	shalt  }
0x5a: {  	_ =	shalt  }
0x5b: {  	_ =	shalt  }
0x5c: {  	_ =	shalt  }
0x5d: {  	_ =	shalt  }
0x5e: {  	_ =	shalt  }
0x5f: {  	_ =	shalt  }
0x60: {  	_ =	shalt  }
0x61: {  	_ =	shalt  }
0x62: {  	_ =	shalt  }
0x63: {  	_ =	shalt  }
0x64: {  	_ =	shalt  }
0x65: {  	_ =	shalt  }
0x66: {  	_ =	shalt  }
0x67: {  	_ =	shalt  }
0x68: {  	_ =	shalt  }
0x69: {  	_ =	shalt  }
0x6a: {  	_ =	shalt  }
0x6b: {  	_ =	shalt  }
0x6c: {  	_ =	shalt  }
0x6d: {  	_ =	shalt  }
0x6e: {  	_ =	shalt  }
0x6f: {  	_ =	shalt  }
0x70: {  	_ =	shalt  }
0x71: {  	_ =	shalt  }
0x72: {  	_ =	shalt  }
0x73: {  	_ =	shalt  }
0x74: {  	_ =	shalt  }
0x75: {  	_ =	shalt  }
0x76: {  	_ =	shalt  }
0x77: {  	_ =	shalt  }
0x78: {  	_ =	shalt  }
0x79: {  	_ =	shalt  }
0x7a: {  	_ =	shalt  }
0x7b: {  	_ =	shalt  }
0x7c: {  	_ =	shalt  }
0x7d: {  	_ =	shalt  }
0x7e: {  	_ =	shalt  }
0x7f: {  	_ =	shalt  }
0x80: {  	_ =	shalt  }
0x81: {  	_ =	shalt  }
0x82: {  	_ =	shalt  }
0x83: {  	_ =	shalt  }
0x84: {  	_ =	shalt  }
0x85: {  	_ =	shalt  }
0x86: {  	_ =	shalt  }
0x87: {  	_ =	shalt  }
.Lfunc_end0:
.L_simem_size_0:
called_computation.1_lowered:
.L_overlay_start_0:
0x88: {  	s2 =	sld [smem:$0x3FD9]  }
0x89: {  	s3 =	sld [smem:$0x3FFE];
	_ =	sdelay $0x1  }
0x8a: {  	s1 =	srdreg.scid  }
0x8b: {  	s0 =	sand.u32 $0x1, s1  }
0x8c: {  	s17 =	sshll.u32 s0, $0xA;
	s2 =	sadd.s32 s3, s2  }
0x8d: {  	s2 =	sadd.s32 s2, s17  }
0x8e: {  	[smem:$0x3FC0] =	sst s2  }
0x8f: {  	_ = 	snop  }
0x90: {  	s2 =	sld [smem:$0x3FD0];
	(tm) =	ssettm $0x1  }
0x91: {  	s18 =	sld [smem:$0x3FFB];
	_ =	sdelay $0x3  }
0x92: {  	_ =	strace s18  }
0x93: {  	s3 =	sld [smem:$0x3FFC];
	_ =	sdelay $0x3  }
0x94: {  	_ =	strace s3  }
0x95: {  	s3 =	sld [smem:$0x3FFD];
	_ =	sdelay $0x3  }
0x96: {  	_ =	strace s3  }
0x97: {  	_ =	strace $0x8FFFFFFF  }
0x98: {  	s19 =	sld [smem:$0x3FDB];
	_ =	sdelay $0x1  }
0x99: {  	s4 =	simm.s32 $_scs_section_size  }
0x9a: {  	s5 =	simm.s32 $_size__tile_overlayer_lowered;
	s6 =	simm.s32 $_tile_overlayer_lowered  }
0x9b: {  	s22 =	simm.s32 $0x1BFF;
	s21 =	sshll.u32 s6, $0x1;
	s3 =	sadd.s32 s4, s19  }
0x9c: {  	s7 =	simm.s32 $0x0;
	s20 =	sshll.u32 s5, $0x1;
	s5 =	sadd.s32 s21, s3  }
0x9d: {  	[timem:s7], [sflag:s22] =	dma.local [hbm:s5], s20  }
0x9e: {  	_ =	swait.ge [sflag:s22], s20  }
0x9f: {  	s4 =	ssub.s32 $0x0, s20;
	[sflag:s22] =	ssyncset.done $0x0  }
0xa0: {  	[sflag:s22] =	ssyncadd.s32 s4;
	_ =	sdelay $0x1  }
0xa1: {  	s23 =	simm.s32 $0x1B8B  }
0xa2: {  	_ =	swait.ge [sflag:s23], $0x1  }
0xa3: {  	[sflag:s23] =	ssyncset.done $0x0  }
0xa4: {  	s25 =	simm.s32 $0x1B8E;
	s24 =	sld [smem:$0x3FFE];
	[sflag:s23] =	ssyncadd.s32 $0xFFFFFFFF  }
0xa5: {  	s26 =	simm.s32 $execute0_lowered;
	[smem:$0x3FD2] =	sst s25  }
0xa6: {  	s5 =	sshll.u32 s26, $0x1;
	_ =	strace $0x80000049;
	[dreg:$0x1] =	wrdreg $0xFFFFFFFF  }
0xa7: {  	s28 =	simm.s32 $_size_execute0_lowered;
	s3 =	sadd.s32 s3, s5;
	[dreg:$0x0] =	wrdreg $0x0  }
0xa8: {  	s5 =	sshll.u32 s28, $0x1;
	[dreg:$0x2] =	wrdreg s3  }
0xa9: {  	[dreg:$0x3] =	wrdreg s5  }
0xaa: {  	[dreg:$0x4] =	wrdreg $0xC0  }
0xab: {  	_ =	task [dreg:s7], $0x5FFFF  }
0xac: {  	[dreg:$0x1] =	wrdreg $0xFFFFFFFF  }
0xad: {  	[dreg:$0x0] =	wrdreg $0x60  }
0xae: {  	[dreg:$0x2] =	wrdreg s24  }
0xaf: {  	[dreg:$0x3] =	wrdreg s2  }
0xb0: {  	[dreg:$0x4] =	wrdreg $0x41000  }
0xb1: {  	[dreg:$0x5] =	wrdreg $0x9  }
0xb2: {  	_ =	task.clear_ibuf [dreg:s7], $0x6FFFF;
	_ =	strace $0x90000049  }
0xb3: {  	s29 =	simm.s32 $0x9;
	_ =	strace $0x8000004B  }
0xb4: {  	_ =	swait.ge [sflag:s29], $0x1  }
0xb5: {  	[sflag:s29] =	ssyncadd.s32 $0xFFFFFFFF  }
0xb6: {  	_ =	strace $0x9000004B  }
0xb7: {  	_ =	sfence  }
0xb8: {  	s30 =	sld [smem:$0x0];
	_ =	sdelay $0x2  }
0xb9: {  	s31 =	sshll.u32 s1, $0xD;
	s1 =	sshrl.u32 s1, $0x2  }
0xba: {  	s3 =	sand.u32 $0x4000, s31;
	s1 =	sadd.s32 s1, s30  }
0xbb: {  	s0 =	sor.u32 s3, s0;
	s1 =	sshll.u32 s1, $0x11  }
0xbc: {  	s0 =	sor.u32 s1, s0  }
0xbd: {  	s0 =	sadd.s32 $0x8F2B, s0  }
0xbe: {  	[sflag:s0] =	ssyncadd.remote.s32 $0x1  }
0xbf: {  	_ =	sfence.sel $0xFFFF  }
0xc0: {  	[dreg:$0x0] =	wrdreg $0xFFFFFFFF;
	(pc) =	sbr.abs _section_cstart, $3  }
0xc1: {  	[dreg:$0x1] =	wrdreg $0xFFFFFFFF  }
0xc2: {  	_ =	task.clear_ibuf [dreg:s7], $0x2FFFF;
	_ =	strace $0x9FFFFFFF  }
0xc3: {  	(tm) =	ssettm $0x7FFFFFFF  }
tec
execute0_lowered:
.L_overlay_start_1:
0x0: {  	(tag) =	ssettag $0x1  }
0x1: {  	s5 =	rddreg [dreg:$0x0]  }
0x2: {  	s8 =	rddreg [dreg:$0x1]  }
0x3: {  	s0 =	srdreg.scid;
	s1 =	stileid.u32  }
0x4: {  	s2 =	rddreg [dreg:$0x2];
	s7 =	smul.u32 $0x13C00, s1  }
0x5: {  	s3 =	simm.s32 $0x0;
	s15 =	simm.s32 $0x1;
	s13 =	smul.u32 $0x4F000, s1  }
0x6: {  	s6 =	sand.u32 $0x1, s0;
	s0 =	rddreg [dreg:$0x3];
	s30 =	smul.u32 $0x4F0, s1  }
0x7: {  	s16 =	simm.s32 $0x0;
	[smem:$0x7FF] =	sst s3;
	s9 =	smul.u32 $0x4F00, s6  }
0x8: {  	s4 =	sadd.s32 $0x2400, s5;
	s29 =	sshll.u32 s1, $0x6;
	s10 =	smul.u32 $0x13C000, s6  }
0x9: {  	_ =	strace $0x8000004A;
	s6 =	ssub.s32 $0x2, s6;
	s12 =	sshrl.u32 s7, $0x3  }
0xa: {  	s26 =	sshrl.u32 s6, $0x1;
	s28 =	sshrl.u32 s13, $0x2;
	s13 =	simm.s32 $0x80  }
0xb: {  	s11 =	sadd.s32 s9, s5;
	s7 =	sadd.s32 s7, s10;
	s12 =	sadd.s32 s12, s5  }
0xc: {  	s10 =	ssub.s32 s6, s26;
	s14 =	sadd.s32 s28, s2;
	s6 =	sor.u32 $0x1C02, s29  }
0xd: {  	s31 =	sadd.s32 s9, s8;
	s7 =	sshrl.u32 s7, $0x3;
	s11 =	sadd.s32 s30, s11  }
0xe: {  	s8 =	smax.u32 s10, $0x1;
	s10 =	sadd.s32 s30, s31;
	s7 =	sadd.s32 s7, s5  }
0xf: {  	s5 =	sadd.s32 $0x34000, s12;
	s9 =	sadd.s32 $0x2A200, s11;
	s11 =	sshrl.u32 s14, $0x3  }
0x10: {  	s12 =	simm.s32 $0x2;
	s14 =	simm.s32 $0x100;
	s7 =	sadd.s32 $0x5B800, s7  }
.LBB2_1:
0x11: {  	[spmem:s11], [sflag:s6] =	dma.local [hbm:s5], $0x2780  }
0x12: {  	_ =	swait.ge [sflag:s12], $0x2780  }
0x13: {  	[sflag:s12] =	ssyncset.done $0x0  }
0x14: {  	[sflag:s12] =	ssyncadd.s32 $0xFFFFD880  }
0x15: {  	s17 =	sadd.s32 $0x0, s10;
	[bflag:$0x0] =	sbarrier.arrive $0xFFFF  }
0x16: {  	[tilespmem:s3], [sflag:$0x2] =	stream.linear.gather [hbm4b:s17+s3], $0x80, $0x38;
	[tilespmem:$0x17D00] =	vst v63  }
0x17: {  	_ =	swait.ge [sflag:s12], $0x80  }
0x18: {  	[sflag:s12] =	ssyncset.done $0x0  }
0x19: {  	s31 =	sadd.s32 $0x0, s9;
	[sflag:s12] =	ssyncadd.s32 $0xFFFFFF80  }
0x1a: {  	[tilespmem:s13], [sflag:$0x2] =	stream.linear.gather [hbm4b:s31+s3], $0x80, $0x38;
	[tilespmem:$0x17D00] =	vst v63  }
0x1b: {  	_ =	swait.ge [sflag:s12], $0x80  }
0x1c: {  	[sflag:s12] =	ssyncset.done $0x0  }
0x1d: {  	[sflag:s12] =	ssyncadd.s32 $0xFFFFFF80  }
0x1e: {  	[tilespmem:s14], [sflag:$0x1] =	stream.indirect.gather [hbm4b:s4+s13], $0x80, s3, s13, $0xb8;
	[tilespmem:$0x17D00] =	vst v63  }
0x1f: {  	_ =	swait.ge [sflag:s15], $0x4000  }
0x20: {  	[sflag:s15] =	ssyncset.done $0x0  }
0x21: {  	[sflag:s15] =	ssyncadd.s32 $0xFFFFC000  }
0x22: {  	[spmem:s2] =	stream.indirect.scatter.add.f32 [tilespmem:s14], [sflag:$0x2], $0x80, s13, s13, $0xb8;
	[tilespmem:$0x17D00] =	vst v63  }
0x23: {  	_ =	swait.ge [sflag:s12], $0x4000  }
0x24: {  	s18 =	simm.s32 $0x20;
	s17 =	simm.s32 $0x10;
	[sflag:s12] =	ssyncset.done $0x0  }
.LBB2_2:
0x25: {  	s19 =	sadd.s32 s17, s10  }
0x26: {  	[sflag:s12] =	ssyncadd.s32 $0xFFFFC000;
	s20 =	smov.u32 s18;
	s21 =	sadd.s32 $0x10, s18  }
0x27: {  	[tilespmem:s3], [sflag:$0x2] =	stream.linear.gather [hbm4b:s19+s3], $0x80, $0x38;
	[tilespmem:$0x17D00] =	vst v63  }
0x28: {  	p0 =	sne.s32 s18, $0x4E0;
	_ =	swait.ge [sflag:s12], $0x80  }
0x29: {  	[sflag:s12] =	ssyncset.done $0x0  }
0x2a: {  	s18 =	sadd.s32 s17, s9;
	s17 =	smov.u32 s20;
	[sflag:s12] =	ssyncadd.s32 $0xFFFFFF80  }
0x2b: {  	[tilespmem:s13], [sflag:$0x2] =	stream.linear.gather [hbm4b:s18+s3], $0x80, $0x38;
	[tilespmem:$0x17D00] =	vst v63  }
0x2c: {  	_ =	swait.ge [sflag:s12], $0x80  }
0x2d: {  	[sflag:s12] =	ssyncset.done $0x0  }
0x2e: {  	[sflag:s12] =	ssyncadd.s32 $0xFFFFFF80  }
0x2f: {  	[tilespmem:s14], [sflag:$0x1] =	stream.indirect.gather [hbm4b:s4+s13], $0x80, s3, s13, $0xb8;
	[tilespmem:$0x17D00] =	vst v63  }
0x30: {  	_ =	swait.ge [sflag:s15], $0x4000  }
.Ltmp0:
0x31: {  	[sflag:s15] =	ssyncset.done $0x0;
	(pc) =	sbr.rel @p0 .LBB2_2-.Ltmp0, $4  }
0x32: {  	[sflag:s15] =	ssyncadd.s32 $0xFFFFC000  }
0x33: {  	[spmem:s2] =	stream.indirect.scatter.add.f32 [tilespmem:s14], [sflag:$0x2], $0x80, s13, s13, $0xb8;
	[tilespmem:$0x17D00] =	vst v63  }
0x34: {  	_ =	swait.ge [sflag:s12], $0x4000  }
0x35: {  	s18 =	smov.u32 s21;
	[sflag:s12] =	ssyncset.done $0x0  }
0x36: {  	s18 =	sadd.s32 s17, s10;
	[sflag:s12] =	ssyncadd.s32 $0xFFFFC000  }
0x37: {  	[tilespmem:s3], [sflag:$0x2] =	stream.linear.gather [hbm4b:s18+s3], $0x80, $0x38;
	[tilespmem:$0x17D00] =	vst v63  }
0x38: {  	_ =	swait.ge [sflag:s12], $0x80  }
0x39: {  	[sflag:s12] =	ssyncset.done $0x0  }
0x3a: {  	s31 =	sadd.s32 s17, s9;
	[sflag:s12] =	ssyncadd.s32 $0xFFFFFF80  }
0x3b: {  	[tilespmem:s13], [sflag:$0x2] =	stream.linear.gather [hbm4b:s31+s3], $0x80, $0x38;
	[tilespmem:$0x17D00] =	vst v63  }
0x3c: {  	_ =	swait.ge [sflag:s12], $0x80  }
0x3d: {  	[sflag:s12] =	ssyncset.done $0x0  }
0x3e: {  	[sflag:s12] =	ssyncadd.s32 $0xFFFFFF80  }
0x3f: {  	[tilespmem:s14], [sflag:$0x1] =	stream.indirect.gather [hbm4b:s4+s13], $0x80, s3, s13, $0xb8;
	[tilespmem:$0x17D00] =	vst v63  }
0x40: {  	_ =	swait.ge [sflag:s15], $0x4000  }
0x41: {  	[sflag:s15] =	ssyncset.done $0x0  }
0x42: {  	[sflag:s15] =	ssyncadd.s32 $0xFFFFC000  }
0x43: {  	[spmem:s2] =	stream.indirect.scatter.add.f32 [tilespmem:s14], [sflag:$0x2], $0x80, s13, s13, $0xb8;
	[tilespmem:$0x17D00] =	vst v63  }
0x44: {  	_ =	swait.ge [sflag:s12], $0x4000  }
0x45: {  	s16 =	sadd.s32 $0x1, s16;
	[sflag:s12] =	ssyncset.done $0x0  }
0x46: {  	p0 =	sne.s32 s16, s8;
	[sflag:s12] =	ssyncadd.s32 $0xFFFFC000  }
.Ltmp1:
0x47: {  	[bflag:$0x0] =	sbarrier.arrive $0xFFFF;
	(pc) =	sbr.rel @p0 .LBB2_1-.Ltmp1, $4  }
0x48: {  	[hbm:s7], [sflag:s6] =	dma.local [spmem:s11], $0x2780  }
0x49: {  	_ =	swait.ge [sflag:s12], $0x2780  }
0x4a: {  	[sflag:s12] =	ssyncset.done $0x0  }
0x4b: {  	[sflag:s12] =	ssyncadd.s32 $0xFFFFD880  }
0x4c: {  	_ =	sfence.sel $0x180000  }
0x4d: {  	[bflag:$0x0] =	sbarrier.arrive $0xFFFF  }
0x4e: {  	p0 =	sne.s32 s1, $0x0;
	_ =	strace $0x9000004A  }
0x4f: {  	s0 =	sadd.s32 @!p0 $0x100000, s0;
	[bflag:$0x2] =	sbarrier.arrive $0xFFFF  }
0x50: {  	[sflag:s0] =	ssyncadd.tile.s32 @!p0 $0x1;
	_ =	shalt  }
.Lfunc_end2:
_tile_overlayer_lowered:
.L_overlay_start_2:
0x51: {  	(tag) =	ssettag $0x2  }
0x52: {  	s0 =	rddreg [dreg:$0x0];
	s2 =	stileid.u32  }
0x53: {  	s1 =	rddreg [dreg:$0x1];
	p0 =	sne.s32 s2, $0x0  }
0x54: {  	s3 =	rddreg [dreg:$0x2];
	[bflag:$0x3] =	sbarrier.arrive $0xFFFF;
	s2 =	simm.s32 @!p0 $0x1C02  }
0x55: {  	[timem:s3], [sflag:s2] =	dma.local @!p0 [hbm:s0], s1  }
0x56: {  	s0 =	simm.s32 @!p0 $0x2  }
0x57: {  	_ =	swait.ge @!p0 [sflag:s0], s1  }
0x58: {  	s1 =	ssub.s32 @!p0 $0x0, s1;
	[sflag:s0] =	ssyncset.done @!p0 $0x0  }
0x59: {  	[sflag:s0] =	ssyncadd.s32 @!p0 s1  }
0x5a: {  	[bflag:$0x3] =	sbarrier.arrive $0xFFFF  }
0x5b: {  	_ =	shalt  }

// kernel: kernel.18.cloned.1.call-start
scs
__scs_entry_jumppad:
0x0: {  	(pc) =	sbr.rel $0x88, $3  }
0x1: {  	(tag) =	ssettag $0x0;
	lr =	simm.s32 $0x1  }
0x2: {  	[smem:$0x3F99] =	sst lr;
	_ =	strace $0xD0000000  }
0x3: {  	_ = 	snop  }
0x4: {  	_ = 	snop  }
0x5: {  	_ = 	snop  }
0x6: {  	_ = 	snop  }
0x7: {  	_ = 	snop  }
__scs_overlays_trampoline_lowered:
0x8: {  	[smem:$0x3FA8] =	sst s0  }
0x9: {  	[smem:$0x3FA9] =	sst s1  }
0xa: {  	[smem:$0x3FAA] =	sst s2  }
0xb: {  	[smem:$0x3FAB] =	sst s3  }
0xc: {  	[smem:$0x3FAC] =	sst s4  }
0xd: {  	[smem:$0x3FAD] =	sst s5  }
0xe: {  	[smem:$0x3FAE] =	sst s6  }
0xf: {  	[smem:$0x3FAF] =	sst s7  }
0x10: {  	[smem:$0x3FB0] =	sst s8  }
0x11: {  	[smem:$0x3FB1] =	sst s9;
	s0 =	simm.s32 @!p0 $0x0  }
0x12: {  	s1 =	sld [smem:$0x3F97];
	s0 =	simm.s32 @p0 $0x1  }
0x13: {  	[smem:$0x3FB2] =	sst s0;
	s0 =	simm.s32 @!p1 $0x0  }
0x14: {  	s2 =	sld [smem:$0x3F96];
	s0 =	simm.s32 @p1 $0x1  }
0x15: {  	[smem:$0x3FB3] =	sst s0;
	s0 =	simm.s32 @!p2 $0x0  }
0x16: {  	s3 =	sld [smem:$0x3FDB];
	s0 =	simm.s32 @p2 $0x1  }
0x17: {  	s4 =	simm.s32 $0x1BF5;
	[smem:$0x3FB5] =	sst s0  }
0x18: {  	s0 =	sld [smem:$0x3F98];
	_ =	swait.ge [sflag:s4], $0x0  }
0x19: {  	s7 =	sld [smem:$0x3F99]  }
0x1a: {  	s8 =	sadd.s32 $0xFFFFE003, lr  }
0x1b: {  	s9 =	sadd.s32 $0xFFFFFEF7, lr;
	s5 =	simm.s32 $0xFFFFFFFF;
	p2 =	slt.u32 s8, $0xFFFFF086  }
0x1c: {  	p1 =	slt.u32 s9, $0xF7A;
	s5 =	simm.s32 @!p2 $0x0  }
0x1d: {  	s5 =	simm.s32 @p1 $0x1;
	p0 =	seq.s32 s7, s2  }
0x1e: {  	s7 =	smul.u32 @!p0 $0xF7A, s2;
	p2 =	seq.s32 @!p0 s5, $0x0  }
0x1f: {  	s9 =	smul.u32 $0xF7A, s1;
	s8 =	simm.s32 @!p0 $0x1BF5;
	p2 =	por !p2, p0  }
0x20: {  	[sflag:s8] =	ssyncset.s32 @!p0 $0xFFFFF086;
	s6 =	sadd.s32 @!p0 s3, s7;
	s7 =	simm.s32 @!p0 $0x108  }
0x21: {  	s3 =	sadd.s32 s3, s9;
	s6 =	sadd.s32 @!p0 $0x88, s6;
	s7 =	simm.s32 @p2 $0x1082  }
0x22: {  	[simem:s7], [sflag:s8] =	dma.local @!p0 [hbm:s6], $0xF7A  }
0x23: {  	s9 =	sor.u32 $0xD0000000, s2;
	s6 =	simm.s32 $0x108;
	_ =	swait.ge @!p0 [sflag:s8], $0x0  }
0x24: {  	s3 =	sadd.s32 $0x88, s3;
	s6 =	simm.s32 @!p1 $0x1082;
	[sflag:s4] =	ssyncset.s32 $0xFFFFF086  }
0x25: {  	[simem:s6], [sflag:s4] =	dma.local [hbm:s3], $0xF7A  }
0x26: {  	[smem:$0x3F99] =	sst s1;
	(tag) =	ssettag s2;
	_ =	strace s9  }
0x27: {  	s1 =	sld [smem:$0x3FA9]  }
0x28: {  	s2 =	sld [smem:$0x3FAA]  }
0x29: {  	s4 =	sld [smem:$0x3FAC]  }
0x2a: {  	p0 =	seq.s32 s5, $0x0;
	s5 =	sld [smem:$0x3FAD]  }
0x2b: {  	s6 =	sld [smem:$0x3FAE]  }
0x2c: {  	s7 =	sld [smem:$0x3FAF]  }
0x2d: {  	s3 =	simm.s32 $0x108;
	s8 =	sld [smem:$0x3FB0]  }
0x2e: {  	s3 =	simm.s32 @!p0 $0x1082;
	s9 =	sld [smem:$0x3FB1]  }
0x2f: {  	lr =	sadd.s32 s0, s3;
	s0 =	sld [smem:$0x3FA8]  }
0x30: {  	s3 =	sld [smem:$0x3FAB]  }
0x31: {  	[smem:$0x3FB4] =	sst s10  }
0x32: {  	s10 =	sld [smem:$0x3FB2];
	_ =	sdelay $0x3  }
0x33: {  	p0 =	seq.s32 s10, $0x1;
	s10 =	sld [smem:$0x3FB4];
	_ =	sdelay $0x3  }
0x34: {  	[smem:$0x3FB4] =	sst s10  }
0x35: {  	s10 =	sld [smem:$0x3FB3];
	_ =	sdelay $0x3  }
0x36: {  	p1 =	seq.s32 s10, $0x1;
	s10 =	sld [smem:$0x3FB4];
	_ =	sdelay $0x3  }
0x37: {  	[smem:$0x3FB4] =	sst s10  }
0x38: {  	s10 =	sld [smem:$0x3FB5]  }
0x39: {  	_ = 	snop;
	(pc) =	sbr.ind lr, $3  }
0x3a: {  	_ = 	snop  }
0x3b: {  	_ = 	snop  }
0x3c: {  	p2 =	seq.s32 s10, $0x1;
	s10 =	sld [smem:$0x3FB4]  }
0x3d: {  	_ =	shalt  }
0x3e: {  	_ =	shalt  }
0x3f: {  	_ =	shalt  }
0x40: {  	_ =	shalt  }
0x41: {  	_ =	shalt  }
0x42: {  	_ =	shalt  }
0x43: {  	_ =	shalt  }
0x44: {  	_ =	shalt  }
0x45: {  	_ =	shalt  }
0x46: {  	_ =	shalt  }
0x47: {  	_ =	shalt  }
0x48: {  	_ =	shalt  }
0x49: {  	_ =	shalt  }
0x4a: {  	_ =	shalt  }
0x4b: {  	_ =	shalt  }
0x4c: {  	_ =	shalt  }
0x4d: {  	_ =	shalt  }
0x4e: {  	_ =	shalt  }
0x4f: {  	_ =	shalt  }
0x50: {  	_ =	shalt  }
0x51: {  	_ =	shalt  }
0x52: {  	_ =	shalt  }
0x53: {  	_ =	shalt  }
0x54: {  	_ =	shalt  }
0x55: {  	_ =	shalt  }
0x56: {  	_ =	shalt  }
0x57: {  	_ =	shalt  }
0x58: {  	_ =	shalt  }
0x59: {  	_ =	shalt  }
0x5a: {  	_ =	shalt  }
0x5b: {  	_ =	shalt  }
0x5c: {  	_ =	shalt  }
0x5d: {  	_ =	shalt  }
0x5e: {  	_ =	shalt  }
0x5f: {  	_ =	shalt  }
0x60: {  	_ =	shalt  }
0x61: {  	_ =	shalt  }
0x62: {  	_ =	shalt  }
0x63: {  	_ =	shalt  }
0x64: {  	_ =	shalt  }
0x65: {  	_ =	shalt  }
0x66: {  	_ =	shalt  }
0x67: {  	_ =	shalt  }
0x68: {  	_ =	shalt  }
0x69: {  	_ =	shalt  }
0x6a: {  	_ =	shalt  }
0x6b: {  	_ =	shalt  }
0x6c: {  	_ =	shalt  }
0x6d: {  	_ =	shalt  }
0x6e: {  	_ =	shalt  }
0x6f: {  	_ =	shalt  }
0x70: {  	_ =	shalt  }
0x71: {  	_ =	shalt  }
0x72: {  	_ =	shalt  }
0x73: {  	_ =	shalt  }
0x74: {  	_ =	shalt  }
0x75: {  	_ =	shalt  }
0x76: {  	_ =	shalt  }
0x77: {  	_ =	shalt  }
0x78: {  	_ =	shalt  }
0x79: {  	_ =	shalt  }
0x7a: {  	_ =	shalt  }
0x7b: {  	_ =	shalt  }
0x7c: {  	_ =	shalt  }
0x7d: {  	_ =	shalt  }
0x7e: {  	_ =	shalt  }
0x7f: {  	_ =	shalt  }
0x80: {  	_ =	shalt  }
0x81: {  	_ =	shalt  }
0x82: {  	_ =	shalt  }
0x83: {  	_ =	shalt  }
0x84: {  	_ =	shalt  }
0x85: {  	_ =	shalt  }
0x86: {  	_ =	shalt  }
0x87: {  	_ =	shalt  }
.Lfunc_end0:
.L_simem_size_0:
called_computation.2_lowered:
.L_overlay_start_0:
0x88: {  	s2 =	sld [smem:$0x3FD9]  }
0x89: {  	s3 =	sld [smem:$0x3FFE];
	_ =	sdelay $0x1  }
0x8a: {  	s1 =	srdreg.scid  }
0x8b: {  	s0 =	sand.u32 $0x1, s1  }
0x8c: {  	s17 =	sshll.u32 s0, $0xA;
	s2 =	sadd.s32 s3, s2  }
0x8d: {  	s2 =	sadd.s32 s2, s17  }
0x8e: {  	[smem:$0x3FC0] =	sst s2  }
0x8f: {  	_ = 	snop  }
0x90: {  	s2 =	sld [smem:$0x3FD0];
	(tm) =	ssettm $0x1  }
0x91: {  	s18 =	sld [smem:$0x3FFB];
	_ =	sdelay $0x3  }
0x92: {  	_ =	strace s18  }
0x93: {  	s3 =	sld [smem:$0x3FFC];
	_ =	sdelay $0x3  }
0x94: {  	_ =	strace s3  }
0x95: {  	s3 =	sld [smem:$0x3FFD];
	_ =	sdelay $0x3  }
0x96: {  	_ =	strace s3  }
0x97: {  	_ =	strace $0x8FFFFFFF  }
0x98: {  	s19 =	sld [smem:$0x3FDB];
	_ =	sdelay $0x1  }
0x99: {  	s4 =	simm.s32 $_scs_section_size  }
0x9a: {  	s5 =	simm.s32 $_size__tile_overlayer_lowered;
	s6 =	simm.s32 $_tile_overlayer_lowered  }
0x9b: {  	s22 =	simm.s32 $0x1BFF;
	s21 =	sshll.u32 s6, $0x1;
	s3 =	sadd.s32 s4, s19  }
0x9c: {  	s7 =	simm.s32 $0x0;
	s20 =	sshll.u32 s5, $0x1;
	s5 =	sadd.s32 s21, s3  }
0x9d: {  	[timem:s7], [sflag:s22] =	dma.local [hbm:s5], s20  }
0x9e: {  	_ =	swait.ge [sflag:s22], s20  }
0x9f: {  	s4 =	ssub.s32 $0x0, s20;
	[sflag:s22] =	ssyncset.done $0x0  }
0xa0: {  	[sflag:s22] =	ssyncadd.s32 s4;
	_ =	sdelay $0x1  }
0xa1: {  	s23 =	simm.s32 $0x1B8B  }
0xa2: {  	_ =	swait.ge [sflag:s23], $0x1  }
0xa3: {  	[sflag:s23] =	ssyncset.done $0x0  }
0xa4: {  	s25 =	simm.s32 $0x1B8E;
	s24 =	sld [smem:$0x3FFE];
	[sflag:s23] =	ssyncadd.s32 $0xFFFFFFFF  }
0xa5: {  	s26 =	simm.s32 $execute0_lowered;
	[smem:$0x3FD2] =	sst s25  }
0xa6: {  	s5 =	sshll.u32 s26, $0x1;
	_ =	strace $0x8000004C;
	[dreg:$0x1] =	wrdreg $0xFFFFFFFF  }
0xa7: {  	s28 =	simm.s32 $_size_execute0_lowered;
	s3 =	sadd.s32 s3, s5;
	[dreg:$0x0] =	wrdreg $0x0  }
0xa8: {  	s5 =	sshll.u32 s28, $0x1;
	[dreg:$0x2] =	wrdreg s3  }
0xa9: {  	[dreg:$0x3] =	wrdreg s5  }
0xaa: {  	[dreg:$0x4] =	wrdreg $0xC0  }
0xab: {  	_ =	task [dreg:s7], $0x5FFFF  }
0xac: {  	[dreg:$0x1] =	wrdreg $0xFFFFFFFF  }
0xad: {  	[dreg:$0x0] =	wrdreg $0x60  }
0xae: {  	[dreg:$0x2] =	wrdreg s24  }
0xaf: {  	[dreg:$0x3] =	wrdreg s2  }
0xb0: {  	[dreg:$0x4] =	wrdreg $0x41000  }
0xb1: {  	[dreg:$0x5] =	wrdreg $0x9  }
0xb2: {  	_ =	task.clear_ibuf [dreg:s7], $0x6FFFF;
	_ =	strace $0x9000004C  }
0xb3: {  	s29 =	simm.s32 $0x9;
	_ =	strace $0x8000004E  }
0xb4: {  	_ =	swait.ge [sflag:s29], $0x1  }
0xb5: {  	[sflag:s29] =	ssyncadd.s32 $0xFFFFFFFF  }
0xb6: {  	_ =	strace $0x9000004E  }
0xb7: {  	_ =	sfence  }
0xb8: {  	s30 =	sld [smem:$0x0];
	_ =	sdelay $0x2  }
0xb9: {  	s31 =	sshll.u32 s1, $0xD;
	s1 =	sshrl.u32 s1, $0x2  }
0xba: {  	s3 =	sand.u32 $0x4000, s31;
	s1 =	sadd.s32 s1, s30  }
0xbb: {  	s0 =	sor.u32 s3, s0;
	s1 =	sshll.u32 s1, $0x11  }
0xbc: {  	s0 =	sor.u32 s1, s0  }
0xbd: {  	s0 =	sadd.s32 $0x8F2B, s0  }
0xbe: {  	[sflag:s0] =	ssyncadd.remote.s32 $0x1  }
0xbf: {  	_ =	sfence.sel $0xFFFF  }
0xc0: {  	[dreg:$0x0] =	wrdreg $0xFFFFFFFF;
	(pc) =	sbr.abs _section_cstart, $3  }
0xc1: {  	[dreg:$0x1] =	wrdreg $0xFFFFFFFF  }
0xc2: {  	_ =	task.clear_ibuf [dreg:s7], $0x2FFFF;
	_ =	strace $0x9FFFFFFF  }
0xc3: {  	(tm) =	ssettm $0x7FFFFFFF  }
tec
execute0_lowered:
.L_overlay_start_1:
0x0: {  	(tag) =	ssettag $0x1  }
0x1: {  	s5 =	rddreg [dreg:$0x0]  }
0x2: {  	s8 =	rddreg [dreg:$0x1]  }
0x3: {  	s0 =	srdreg.scid;
	s1 =	stileid.u32  }
0x4: {  	s2 =	rddreg [dreg:$0x2];
	s7 =	smul.u32 $0x13C00, s1  }
0x5: {  	s3 =	simm.s32 $0x0;
	s15 =	simm.s32 $0x1;
	s13 =	smul.u32 $0x4F000, s1  }
0x6: {  	s6 =	sand.u32 $0x1, s0;
	s0 =	rddreg [dreg:$0x3];
	s30 =	smul.u32 $0x4F0, s1  }
0x7: {  	s16 =	simm.s32 $0x0;
	[smem:$0x7FF] =	sst s3;
	s9 =	smul.u32 $0x4F00, s6  }
0x8: {  	s4 =	sadd.s32 $0x2400, s5;
	s29 =	sshll.u32 s1, $0x6;
	s10 =	smul.u32 $0x13C000, s6  }
0x9: {  	_ =	strace $0x8000004D;
	s6 =	ssub.s32 $0x2, s6;
	s12 =	sshrl.u32 s7, $0x3  }
0xa: {  	s26 =	sshrl.u32 s6, $0x1;
	s28 =	sshrl.u32 s13, $0x2;
	s13 =	simm.s32 $0x80  }
0xb: {  	s11 =	sadd.s32 s9, s5;
	s7 =	sadd.s32 s7, s10;
	s12 =	sadd.s32 s12, s5  }
0xc: {  	s10 =	ssub.s32 s6, s26;
	s14 =	sadd.s32 s28, s2;
	s6 =	sor.u32 $0x1C02, s29  }
0xd: {  	s31 =	sadd.s32 s9, s8;
	s7 =	sshrl.u32 s7, $0x3;
	s11 =	sadd.s32 s30, s11  }
0xe: {  	s8 =	smax.u32 s10, $0x1;
	s10 =	sadd.s32 s30, s31;
	s7 =	sadd.s32 s7, s5  }
0xf: {  	s5 =	sadd.s32 $0x34000, s12;
	s9 =	sadd.s32 $0x2A200, s11;
	s11 =	sshrl.u32 s14, $0x3  }
0x10: {  	s12 =	simm.s32 $0x2;
	s14 =	simm.s32 $0x100;
	s7 =	sadd.s32 $0x5B800, s7  }
.LBB2_1:
0x11: {  	[spmem:s11], [sflag:s6] =	dma.local [hbm:s5], $0x2780  }
0x12: {  	_ =	swait.ge [sflag:s12], $0x2780  }
0x13: {  	[sflag:s12] =	ssyncset.done $0x0  }
0x14: {  	[sflag:s12] =	ssyncadd.s32 $0xFFFFD880  }
0x15: {  	s17 =	sadd.s32 $0x0, s10;
	[bflag:$0x0] =	sbarrier.arrive $0xFFFF  }
0x16: {  	[tilespmem:s3], [sflag:$0x2] =	stream.linear.gather [hbm4b:s17+s3], $0x80, $0x38;
	[tilespmem:$0x17D00] =	vst v63  }
0x17: {  	_ =	swait.ge [sflag:s12], $0x80  }
0x18: {  	[sflag:s12] =	ssyncset.done $0x0  }
0x19: {  	s31 =	sadd.s32 $0x0, s9;
	[sflag:s12] =	ssyncadd.s32 $0xFFFFFF80  }
0x1a: {  	[tilespmem:s13], [sflag:$0x2] =	stream.linear.gather [hbm4b:s31+s3], $0x80, $0x38;
	[tilespmem:$0x17D00] =	vst v63  }
0x1b: {  	_ =	swait.ge [sflag:s12], $0x80  }
0x1c: {  	[sflag:s12] =	ssyncset.done $0x0  }
0x1d: {  	[sflag:s12] =	ssyncadd.s32 $0xFFFFFF80  }
0x1e: {  	[tilespmem:s14], [sflag:$0x1] =	stream.indirect.gather [hbm4b:s4+s13], $0x80, s3, s13, $0xb8;
	[tilespmem:$0x17D00] =	vst v63  }
0x1f: {  	_ =	swait.ge [sflag:s15], $0x4000  }
0x20: {  	[sflag:s15] =	ssyncset.done $0x0  }
0x21: {  	[sflag:s15] =	ssyncadd.s32 $0xFFFFC000  }
0x22: {  	[spmem:s2] =	stream.indirect.scatter.add.f32 [tilespmem:s14], [sflag:$0x2], $0x80, s13, s13, $0xb8;
	[tilespmem:$0x17D00] =	vst v63  }
0x23: {  	_ =	swait.ge [sflag:s12], $0x4000  }
0x24: {  	s18 =	simm.s32 $0x20;
	s17 =	simm.s32 $0x10;
	[sflag:s12] =	ssyncset.done $0x0  }
.LBB2_2:
0x25: {  	s19 =	sadd.s32 s17, s10  }
0x26: {  	[sflag:s12] =	ssyncadd.s32 $0xFFFFC000;
	s20 =	smov.u32 s18;
	s21 =	sadd.s32 $0x10, s18  }
0x27: {  	[tilespmem:s3], [sflag:$0x2] =	stream.linear.gather [hbm4b:s19+s3], $0x80, $0x38;
	[tilespmem:$0x17D00] =	vst v63  }
0x28: {  	p0 =	sne.s32 s18, $0x4E0;
	_ =	swait.ge [sflag:s12], $0x80  }
0x29: {  	[sflag:s12] =	ssyncset.done $0x0  }
0x2a: {  	s18 =	sadd.s32 s17, s9;
	s17 =	smov.u32 s20;
	[sflag:s12] =	ssyncadd.s32 $0xFFFFFF80  }
0x2b: {  	[tilespmem:s13], [sflag:$0x2] =	stream.linear.gather [hbm4b:s18+s3], $0x80, $0x38;
	[tilespmem:$0x17D00] =	vst v63  }
0x2c: {  	_ =	swait.ge [sflag:s12], $0x80  }
0x2d: {  	[sflag:s12] =	ssyncset.done $0x0  }
0x2e: {  	[sflag:s12] =	ssyncadd.s32 $0xFFFFFF80  }
0x2f: {  	[tilespmem:s14], [sflag:$0x1] =	stream.indirect.gather [hbm4b:s4+s13], $0x80, s3, s13, $0xb8;
	[tilespmem:$0x17D00] =	vst v63  }
0x30: {  	_ =	swait.ge [sflag:s15], $0x4000  }
.Ltmp0:
0x31: {  	[sflag:s15] =	ssyncset.done $0x0;
	(pc) =	sbr.rel @p0 .LBB2_2-.Ltmp0, $4  }
0x32: {  	[sflag:s15] =	ssyncadd.s32 $0xFFFFC000  }
0x33: {  	[spmem:s2] =	stream.indirect.scatter.add.f32 [tilespmem:s14], [sflag:$0x2], $0x80, s13, s13, $0xb8;
	[tilespmem:$0x17D00] =	vst v63  }
0x34: {  	_ =	swait.ge [sflag:s12], $0x4000  }
0x35: {  	s18 =	smov.u32 s21;
	[sflag:s12] =	ssyncset.done $0x0  }
0x36: {  	s18 =	sadd.s32 s17, s10;
	[sflag:s12] =	ssyncadd.s32 $0xFFFFC000  }
0x37: {  	[tilespmem:s3], [sflag:$0x2] =	stream.linear.gather [hbm4b:s18+s3], $0x80, $0x38;
	[tilespmem:$0x17D00] =	vst v63  }
0x38: {  	_ =	swait.ge [sflag:s12], $0x80  }
0x39: {  	[sflag:s12] =	ssyncset.done $0x0  }
0x3a: {  	s31 =	sadd.s32 s17, s9;
	[sflag:s12] =	ssyncadd.s32 $0xFFFFFF80  }
0x3b: {  	[tilespmem:s13], [sflag:$0x2] =	stream.linear.gather [hbm4b:s31+s3], $0x80, $0x38;
	[tilespmem:$0x17D00] =	vst v63  }
0x3c: {  	_ =	swait.ge [sflag:s12], $0x80  }
0x3d: {  	[sflag:s12] =	ssyncset.done $0x0  }
0x3e: {  	[sflag:s12] =	ssyncadd.s32 $0xFFFFFF80  }
0x3f: {  	[tilespmem:s14], [sflag:$0x1] =	stream.indirect.gather [hbm4b:s4+s13], $0x80, s3, s13, $0xb8;
	[tilespmem:$0x17D00] =	vst v63  }
0x40: {  	_ =	swait.ge [sflag:s15], $0x4000  }
0x41: {  	[sflag:s15] =	ssyncset.done $0x0  }
0x42: {  	[sflag:s15] =	ssyncadd.s32 $0xFFFFC000  }
0x43: {  	[spmem:s2] =	stream.indirect.scatter.add.f32 [tilespmem:s14], [sflag:$0x2], $0x80, s13, s13, $0xb8;
	[tilespmem:$0x17D00] =	vst v63  }
0x44: {  	_ =	swait.ge [sflag:s12], $0x4000  }
0x45: {  	s16 =	sadd.s32 $0x1, s16;
	[sflag:s12] =	ssyncset.done $0x0  }
0x46: {  	p0 =	sne.s32 s16, s8;
	[sflag:s12] =	ssyncadd.s32 $0xFFFFC000  }
.Ltmp1:
0x47: {  	[bflag:$0x0] =	sbarrier.arrive $0xFFFF;
	(pc) =	sbr.rel @p0 .LBB2_1-.Ltmp1, $4  }
0x48: {  	[hbm:s7], [sflag:s6] =	dma.local [spmem:s11], $0x2780  }
0x49: {  	_ =	swait.ge [sflag:s12], $0x2780  }
0x4a: {  	[sflag:s12] =	ssyncset.done $0x0  }
0x4b: {  	[sflag:s12] =	ssyncadd.s32 $0xFFFFD880  }
0x4c: {  	_ =	sfence.sel $0x180000  }
0x4d: {  	[bflag:$0x0] =	sbarrier.arrive $0xFFFF  }
0x4e: {  	p0 =	sne.s32 s1, $0x0;
	_ =	strace $0x9000004D  }
0x4f: {  	s0 =	sadd.s32 @!p0 $0x100000, s0;
	[bflag:$0x2] =	sbarrier.arrive $0xFFFF  }
0x50: {  	[sflag:s0] =	ssyncadd.tile.s32 @!p0 $0x1;
	_ =	shalt  }
.Lfunc_end2:
_tile_overlayer_lowered:
.L_overlay_start_2:
0x51: {  	(tag) =	ssettag $0x2  }
0x52: {  	s0 =	rddreg [dreg:$0x0];
	s2 =	stileid.u32  }
0x53: {  	s1 =	rddreg [dreg:$0x1];
	p0 =	sne.s32 s2, $0x0  }
0x54: {  	s3 =	rddreg [dreg:$0x2];
	[bflag:$0x3] =	sbarrier.arrive $0xFFFF;
	s2 =	simm.s32 @!p0 $0x1C02  }
0x55: {  	[timem:s3], [sflag:s2] =	dma.local @!p0 [hbm:s0], s1  }
0x56: {  	s0 =	simm.s32 @!p0 $0x2  }
0x57: {  	_ =	swait.ge @!p0 [sflag:s0], s1  }
0x58: {  	s1 =	ssub.s32 @!p0 $0x0, s1;
	[sflag:s0] =	ssyncset.done @!p0 $0x0  }
0x59: {  	[sflag:s0] =	ssyncadd.s32 @!p0 s1  }
0x5a: {  	[bflag:$0x3] =	sbarrier.arrive $0xFFFF  }
0x5b: {  	_ =	shalt  }

// kernel: kernel.21.cloned.1.call-start
scs
__scs_entry_jumppad:
0x0: {  	(pc) =	sbr.rel $0x88, $3  }
0x1: {  	(tag) =	ssettag $0x0;
	lr =	simm.s32 $0x1  }
0x2: {  	[smem:$0x3F99] =	sst lr;
	_ =	strace $0xD0000000  }
0x3: {  	_ = 	snop  }
0x4: {  	_ = 	snop  }
0x5: {  	_ = 	snop  }
0x6: {  	_ = 	snop  }
0x7: {  	_ = 	snop  }
__scs_overlays_trampoline_lowered:
0x8: {  	[smem:$0x3FA8] =	sst s0  }
0x9: {  	[smem:$0x3FA9] =	sst s1  }
0xa: {  	[smem:$0x3FAA] =	sst s2  }
0xb: {  	[smem:$0x3FAB] =	sst s3  }
0xc: {  	[smem:$0x3FAC] =	sst s4  }
0xd: {  	[smem:$0x3FAD] =	sst s5  }
0xe: {  	[smem:$0x3FAE] =	sst s6  }
0xf: {  	[smem:$0x3FAF] =	sst s7  }
0x10: {  	[smem:$0x3FB0] =	sst s8  }
0x11: {  	[smem:$0x3FB1] =	sst s9;
	s0 =	simm.s32 @!p0 $0x0  }
0x12: {  	s1 =	sld [smem:$0x3F97];
	s0 =	simm.s32 @p0 $0x1  }
0x13: {  	[smem:$0x3FB2] =	sst s0;
	s0 =	simm.s32 @!p1 $0x0  }
0x14: {  	s2 =	sld [smem:$0x3F96];
	s0 =	simm.s32 @p1 $0x1  }
0x15: {  	[smem:$0x3FB3] =	sst s0;
	s0 =	simm.s32 @!p2 $0x0  }
0x16: {  	s3 =	sld [smem:$0x3FDB];
	s0 =	simm.s32 @p2 $0x1  }
0x17: {  	s4 =	simm.s32 $0x1BF5;
	[smem:$0x3FB5] =	sst s0  }
0x18: {  	s0 =	sld [smem:$0x3F98];
	_ =	swait.ge [sflag:s4], $0x0  }
0x19: {  	s7 =	sld [smem:$0x3F99]  }
0x1a: {  	s8 =	sadd.s32 $0xFFFFE003, lr  }
0x1b: {  	s9 =	sadd.s32 $0xFFFFFEF7, lr;
	s5 =	simm.s32 $0xFFFFFFFF;
	p2 =	slt.u32 s8, $0xFFFFF086  }
0x1c: {  	p1 =	slt.u32 s9, $0xF7A;
	s5 =	simm.s32 @!p2 $0x0  }
0x1d: {  	s5 =	simm.s32 @p1 $0x1;
	p0 =	seq.s32 s7, s2  }
0x1e: {  	s7 =	smul.u32 @!p0 $0xF7A, s2;
	p2 =	seq.s32 @!p0 s5, $0x0  }
0x1f: {  	s9 =	smul.u32 $0xF7A, s1;
	s8 =	simm.s32 @!p0 $0x1BF5;
	p2 =	por !p2, p0  }
0x20: {  	[sflag:s8] =	ssyncset.s32 @!p0 $0xFFFFF086;
	s6 =	sadd.s32 @!p0 s3, s7;
	s7 =	simm.s32 @!p0 $0x108  }
0x21: {  	s3 =	sadd.s32 s3, s9;
	s6 =	sadd.s32 @!p0 $0x88, s6;
	s7 =	simm.s32 @p2 $0x1082  }
0x22: {  	[simem:s7], [sflag:s8] =	dma.local @!p0 [hbm:s6], $0xF7A  }
0x23: {  	s9 =	sor.u32 $0xD0000000, s2;
	s6 =	simm.s32 $0x108;
	_ =	swait.ge @!p0 [sflag:s8], $0x0  }
0x24: {  	s3 =	sadd.s32 $0x88, s3;
	s6 =	simm.s32 @!p1 $0x1082;
	[sflag:s4] =	ssyncset.s32 $0xFFFFF086  }
0x25: {  	[simem:s6], [sflag:s4] =	dma.local [hbm:s3], $0xF7A  }
0x26: {  	[smem:$0x3F99] =	sst s1;
	(tag) =	ssettag s2;
	_ =	strace s9  }
0x27: {  	s1 =	sld [smem:$0x3FA9]  }
0x28: {  	s2 =	sld [smem:$0x3FAA]  }
0x29: {  	s4 =	sld [smem:$0x3FAC]  }
0x2a: {  	p0 =	seq.s32 s5, $0x0;
	s5 =	sld [smem:$0x3FAD]  }
0x2b: {  	s6 =	sld [smem:$0x3FAE]  }
0x2c: {  	s7 =	sld [smem:$0x3FAF]  }
0x2d: {  	s3 =	simm.s32 $0x108;
	s8 =	sld [smem:$0x3FB0]  }
0x2e: {  	s3 =	simm.s32 @!p0 $0x1082;
	s9 =	sld [smem:$0x3FB1]  }
0x2f: {  	lr =	sadd.s32 s0, s3;
	s0 =	sld [smem:$0x3FA8]  }
0x30: {  	s3 =	sld [smem:$0x3FAB]  }
0x31: {  	[smem:$0x3FB4] =	sst s10  }
0x32: {  	s10 =	sld [smem:$0x3FB2];
	_ =	sdelay $0x3  }
0x33: {  	p0 =	seq.s32 s10, $0x1;
	s10 =	sld [smem:$0x3FB4];
	_ =	sdelay $0x3  }
0x34: {  	[smem:$0x3FB4] =	sst s10  }
0x35: {  	s10 =	sld [smem:$0x3FB3];
	_ =	sdelay $0x3  }
0x36: {  	p1 =	seq.s32 s10, $0x1;
	s10 =	sld [smem:$0x3FB4];
	_ =	sdelay $0x3  }
0x37: {  	[smem:$0x3FB4] =	sst s10  }
0x38: {  	s10 =	sld [smem:$0x3FB5]  }
0x39: {  	_ = 	snop;
	(pc) =	sbr.ind lr, $3  }
0x3a: {  	_ = 	snop  }
0x3b: {  	_ = 	snop  }
0x3c: {  	p2 =	seq.s32 s10, $0x1;
	s10 =	sld [smem:$0x3FB4]  }
0x3d: {  	_ =	shalt  }
0x3e: {  	_ =	shalt  }
0x3f: {  	_ =	shalt  }
0x40: {  	_ =	shalt  }
0x41: {  	_ =	shalt  }
0x42: {  	_ =	shalt  }
0x43: {  	_ =	shalt  }
0x44: {  	_ =	shalt  }
0x45: {  	_ =	shalt  }
0x46: {  	_ =	shalt  }
0x47: {  	_ =	shalt  }
0x48: {  	_ =	shalt  }
0x49: {  	_ =	shalt  }
0x4a: {  	_ =	shalt  }
0x4b: {  	_ =	shalt  }
0x4c: {  	_ =	shalt  }
0x4d: {  	_ =	shalt  }
0x4e: {  	_ =	shalt  }
0x4f: {  	_ =	shalt  }
0x50: {  	_ =	shalt  }
0x51: {  	_ =	shalt  }
0x52: {  	_ =	shalt  }
0x53: {  	_ =	shalt  }
0x54: {  	_ =	shalt  }
0x55: {  	_ =	shalt  }
0x56: {  	_ =	shalt  }
0x57: {  	_ =	shalt  }
0x58: {  	_ =	shalt  }
0x59: {  	_ =	shalt  }
0x5a: {  	_ =	shalt  }
0x5b: {  	_ =	shalt  }
0x5c: {  	_ =	shalt  }
0x5d: {  	_ =	shalt  }
0x5e: {  	_ =	shalt  }
0x5f: {  	_ =	shalt  }
0x60: {  	_ =	shalt  }
0x61: {  	_ =	shalt  }
0x62: {  	_ =	shalt  }
0x63: {  	_ =	shalt  }
0x64: {  	_ =	shalt  }
0x65: {  	_ =	shalt  }
0x66: {  	_ =	shalt  }
0x67: {  	_ =	shalt  }
0x68: {  	_ =	shalt  }
0x69: {  	_ =	shalt  }
0x6a: {  	_ =	shalt  }
0x6b: {  	_ =	shalt  }
0x6c: {  	_ =	shalt  }
0x6d: {  	_ =	shalt  }
0x6e: {  	_ =	shalt  }
0x6f: {  	_ =	shalt  }
0x70: {  	_ =	shalt  }
0x71: {  	_ =	shalt  }
0x72: {  	_ =	shalt  }
0x73: {  	_ =	shalt  }
0x74: {  	_ =	shalt  }
0x75: {  	_ =	shalt  }
0x76: {  	_ =	shalt  }
0x77: {  	_ =	shalt  }
0x78: {  	_ =	shalt  }
0x79: {  	_ =	shalt  }
0x7a: {  	_ =	shalt  }
0x7b: {  	_ =	shalt  }
0x7c: {  	_ =	shalt  }
0x7d: {  	_ =	shalt  }
0x7e: {  	_ =	shalt  }
0x7f: {  	_ =	shalt  }
0x80: {  	_ =	shalt  }
0x81: {  	_ =	shalt  }
0x82: {  	_ =	shalt  }
0x83: {  	_ =	shalt  }
0x84: {  	_ =	shalt  }
0x85: {  	_ =	shalt  }
0x86: {  	_ =	shalt  }
0x87: {  	_ =	shalt  }
.Lfunc_end0:
.L_simem_size_0:
called_computation.3_lowered:
.L_overlay_start_0:
0x88: {  	s2 =	sld [smem:$0x3FD9]  }
0x89: {  	s3 =	sld [smem:$0x3FFE];
	_ =	sdelay $0x1  }
0x8a: {  	s1 =	srdreg.scid  }
0x8b: {  	s0 =	sand.u32 $0x1, s1  }
0x8c: {  	s17 =	sshll.u32 s0, $0xA;
	s2 =	sadd.s32 s3, s2  }
0x8d: {  	s2 =	sadd.s32 s2, s17  }
0x8e: {  	[smem:$0x3FC0] =	sst s2  }
0x8f: {  	_ = 	snop  }
0x90: {  	s2 =	sld [smem:$0x3FD0];
	(tm) =	ssettm $0x1  }
0x91: {  	s18 =	sld [smem:$0x3FFB];
	_ =	sdelay $0x3  }
0x92: {  	_ =	strace s18  }
0x93: {  	s3 =	sld [smem:$0x3FFC];
	_ =	sdelay $0x3  }
0x94: {  	_ =	strace s3  }
0x95: {  	s3 =	sld [smem:$0x3FFD];
	_ =	sdelay $0x3  }
0x96: {  	_ =	strace s3  }
0x97: {  	_ =	strace $0x8FFFFFFF  }
0x98: {  	s19 =	sld [smem:$0x3FDB];
	_ =	sdelay $0x1  }
0x99: {  	s4 =	simm.s32 $_scs_section_size  }
0x9a: {  	s5 =	simm.s32 $_size__tile_overlayer_lowered;
	s6 =	simm.s32 $_tile_overlayer_lowered  }
0x9b: {  	s22 =	simm.s32 $0x1BFF;
	s21 =	sshll.u32 s6, $0x1;
	s3 =	sadd.s32 s4, s19  }
0x9c: {  	s7 =	simm.s32 $0x0;
	s20 =	sshll.u32 s5, $0x1;
	s5 =	sadd.s32 s21, s3  }
0x9d: {  	[timem:s7], [sflag:s22] =	dma.local [hbm:s5], s20  }
0x9e: {  	_ =	swait.ge [sflag:s22], s20  }
0x9f: {  	s4 =	ssub.s32 $0x0, s20;
	[sflag:s22] =	ssyncset.done $0x0  }
0xa0: {  	[sflag:s22] =	ssyncadd.s32 s4;
	_ =	sdelay $0x1  }
0xa1: {  	s23 =	simm.s32 $0x1B8B  }
0xa2: {  	_ =	swait.ge [sflag:s23], $0x1  }
0xa3: {  	[sflag:s23] =	ssyncset.done $0x0  }
0xa4: {  	s25 =	simm.s32 $0x1B8E;
	s24 =	sld [smem:$0x3FFE];
	[sflag:s23] =	ssyncadd.s32 $0xFFFFFFFF  }
0xa5: {  	s26 =	simm.s32 $execute0_lowered;
	[smem:$0x3FD2] =	sst s25  }
0xa6: {  	s5 =	sshll.u32 s26, $0x1;
	_ =	strace $0x8000004F;
	[dreg:$0x1] =	wrdreg $0xFFFFFFFF  }
0xa7: {  	s28 =	simm.s32 $_size_execute0_lowered;
	s3 =	sadd.s32 s3, s5;
	[dreg:$0x0] =	wrdreg $0x0  }
0xa8: {  	s5 =	sshll.u32 s28, $0x1;
	[dreg:$0x2] =	wrdreg s3  }
0xa9: {  	[dreg:$0x3] =	wrdreg s5  }
0xaa: {  	[dreg:$0x4] =	wrdreg $0xC0  }
0xab: {  	_ =	task [dreg:s7], $0x5FFFF  }
0xac: {  	[dreg:$0x1] =	wrdreg $0xFFFFFFFF  }
0xad: {  	[dreg:$0x0] =	wrdreg $0x60  }
0xae: {  	[dreg:$0x2] =	wrdreg s24  }
0xaf: {  	[dreg:$0x3] =	wrdreg s2  }
0xb0: {  	[dreg:$0x4] =	wrdreg $0x41000  }
0xb1: {  	[dreg:$0x5] =	wrdreg $0x9  }
0xb2: {  	_ =	task.clear_ibuf [dreg:s7], $0x6FFFF;
	_ =	strace $0x9000004F  }
0xb3: {  	s29 =	simm.s32 $0x9;
	_ =	strace $0x80000051  }
0xb4: {  	_ =	swait.ge [sflag:s29], $0x1  }
0xb5: {  	[sflag:s29] =	ssyncadd.s32 $0xFFFFFFFF  }
0xb6: {  	_ =	strace $0x90000051  }
0xb7: {  	_ =	sfence  }
0xb8: {  	s30 =	sld [smem:$0x0];
	_ =	sdelay $0x2  }
0xb9: {  	s31 =	sshll.u32 s1, $0xD;
	s1 =	sshrl.u32 s1, $0x2  }
0xba: {  	s3 =	sand.u32 $0x4000, s31;
	s1 =	sadd.s32 s1, s30  }
0xbb: {  	s0 =	sor.u32 s3, s0;
	s1 =	sshll.u32 s1, $0x11  }
0xbc: {  	s0 =	sor.u32 s1, s0  }
0xbd: {  	s0 =	sadd.s32 $0x8F2B, s0  }
0xbe: {  	[sflag:s0] =	ssyncadd.remote.s32 $0x1  }
0xbf: {  	_ =	sfence.sel $0xFFFF  }
0xc0: {  	[dreg:$0x0] =	wrdreg $0xFFFFFFFF;
	(pc) =	sbr.abs _section_cstart, $3  }
0xc1: {  	[dreg:$0x1] =	wrdreg $0xFFFFFFFF  }
0xc2: {  	_ =	task.clear_ibuf [dreg:s7], $0x2FFFF;
	_ =	strace $0x9FFFFFFF  }
0xc3: {  	(tm) =	ssettm $0x7FFFFFFF  }
tec
execute0_lowered:
.L_overlay_start_1:
0x0: {  	(tag) =	ssettag $0x1  }
0x1: {  	s5 =	rddreg [dreg:$0x0]  }
0x2: {  	s8 =	rddreg [dreg:$0x1]  }
0x3: {  	s0 =	srdreg.scid;
	s1 =	stileid.u32  }
0x4: {  	s2 =	rddreg [dreg:$0x2];
	s7 =	smul.u32 $0x13C00, s1  }
0x5: {  	s3 =	simm.s32 $0x0;
	s15 =	simm.s32 $0x1;
	s13 =	smul.u32 $0x4F000, s1  }
0x6: {  	s6 =	sand.u32 $0x1, s0;
	s0 =	rddreg [dreg:$0x3];
	s30 =	smul.u32 $0x4F0, s1  }
0x7: {  	s16 =	simm.s32 $0x0;
	[smem:$0x7FF] =	sst s3;
	s9 =	smul.u32 $0x4F00, s6  }
0x8: {  	s4 =	sadd.s32 $0x2400, s5;
	s29 =	sshll.u32 s1, $0x6;
	s10 =	smul.u32 $0x13C000, s6  }
0x9: {  	_ =	strace $0x80000050;
	s6 =	ssub.s32 $0x2, s6;
	s12 =	sshrl.u32 s7, $0x3  }
0xa: {  	s26 =	sshrl.u32 s6, $0x1;
	s28 =	sshrl.u32 s13, $0x2;
	s13 =	simm.s32 $0x80  }
0xb: {  	s11 =	sadd.s32 s9, s5;
	s7 =	sadd.s32 s7, s10;
	s12 =	sadd.s32 s12, s5  }
0xc: {  	s10 =	ssub.s32 s6, s26;
	s14 =	sadd.s32 s28, s2;
	s6 =	sor.u32 $0x1C02, s29  }
0xd: {  	s31 =	sadd.s32 s9, s8;
	s7 =	sshrl.u32 s7, $0x3;
	s11 =	sadd.s32 s30, s11  }
0xe: {  	s8 =	smax.u32 s10, $0x1;
	s10 =	sadd.s32 s30, s31;
	s7 =	sadd.s32 s7, s5  }
0xf: {  	s5 =	sadd.s32 $0x34000, s12;
	s9 =	sadd.s32 $0x2A200, s11;
	s11 =	sshrl.u32 s14, $0x3  }
0x10: {  	s12 =	simm.s32 $0x2;
	s14 =	simm.s32 $0x100;
	s7 =	sadd.s32 $0x5B800, s7  }
.LBB2_1:
0x11: {  	[spmem:s11], [sflag:s6] =	dma.local [hbm:s5], $0x2780  }
0x12: {  	_ =	swait.ge [sflag:s12], $0x2780  }
0x13: {  	[sflag:s12] =	ssyncset.done $0x0  }
0x14: {  	[sflag:s12] =	ssyncadd.s32 $0xFFFFD880  }
0x15: {  	s17 =	sadd.s32 $0x0, s10;
	[bflag:$0x0] =	sbarrier.arrive $0xFFFF  }
0x16: {  	[tilespmem:s3], [sflag:$0x2] =	stream.linear.gather [hbm4b:s17+s3], $0x80, $0x38;
	[tilespmem:$0x17D00] =	vst v63  }
0x17: {  	_ =	swait.ge [sflag:s12], $0x80  }
0x18: {  	[sflag:s12] =	ssyncset.done $0x0  }
0x19: {  	s31 =	sadd.s32 $0x0, s9;
	[sflag:s12] =	ssyncadd.s32 $0xFFFFFF80  }
0x1a: {  	[tilespmem:s13], [sflag:$0x2] =	stream.linear.gather [hbm4b:s31+s3], $0x80, $0x38;
	[tilespmem:$0x17D00] =	vst v63  }
0x1b: {  	_ =	swait.ge [sflag:s12], $0x80  }
0x1c: {  	[sflag:s12] =	ssyncset.done $0x0  }
0x1d: {  	[sflag:s12] =	ssyncadd.s32 $0xFFFFFF80  }
0x1e: {  	[tilespmem:s14], [sflag:$0x1] =	stream.indirect.gather [hbm4b:s4+s13], $0x80, s3, s13, $0xb8;
	[tilespmem:$0x17D00] =	vst v63  }
0x1f: {  	_ =	swait.ge [sflag:s15], $0x4000  }
0x20: {  	[sflag:s15] =	ssyncset.done $0x0  }
0x21: {  	[sflag:s15] =	ssyncadd.s32 $0xFFFFC000  }
0x22: {  	[spmem:s2] =	stream.indirect.scatter.add.f32 [tilespmem:s14], [sflag:$0x2], $0x80, s13, s13, $0xb8;
	[tilespmem:$0x17D00] =	vst v63  }
0x23: {  	_ =	swait.ge [sflag:s12], $0x4000  }
0x24: {  	s18 =	simm.s32 $0x20;
	s17 =	simm.s32 $0x10;
	[sflag:s12] =	ssyncset.done $0x0  }
.LBB2_2:
0x25: {  	s19 =	sadd.s32 s17, s10  }
0x26: {  	[sflag:s12] =	ssyncadd.s32 $0xFFFFC000;
	s20 =	smov.u32 s18;
	s21 =	sadd.s32 $0x10, s18  }
0x27: {  	[tilespmem:s3], [sflag:$0x2] =	stream.linear.gather [hbm4b:s19+s3], $0x80, $0x38;
	[tilespmem:$0x17D00] =	vst v63  }
0x28: {  	p0 =	sne.s32 s18, $0x4E0;
	_ =	swait.ge [sflag:s12], $0x80  }
0x29: {  	[sflag:s12] =	ssyncset.done $0x0  }
0x2a: {  	s18 =	sadd.s32 s17, s9;
	s17 =	smov.u32 s20;
	[sflag:s12] =	ssyncadd.s32 $0xFFFFFF80  }
0x2b: {  	[tilespmem:s13], [sflag:$0x2] =	stream.linear.gather [hbm4b:s18+s3], $0x80, $0x38;
	[tilespmem:$0x17D00] =	vst v63  }
0x2c: {  	_ =	swait.ge [sflag:s12], $0x80  }
0x2d: {  	[sflag:s12] =	ssyncset.done $0x0  }
0x2e: {  	[sflag:s12] =	ssyncadd.s32 $0xFFFFFF80  }
0x2f: {  	[tilespmem:s14], [sflag:$0x1] =	stream.indirect.gather [hbm4b:s4+s13], $0x80, s3, s13, $0xb8;
	[tilespmem:$0x17D00] =	vst v63  }
0x30: {  	_ =	swait.ge [sflag:s15], $0x4000  }
.Ltmp0:
0x31: {  	[sflag:s15] =	ssyncset.done $0x0;
	(pc) =	sbr.rel @p0 .LBB2_2-.Ltmp0, $4  }
0x32: {  	[sflag:s15] =	ssyncadd.s32 $0xFFFFC000  }
0x33: {  	[spmem:s2] =	stream.indirect.scatter.add.f32 [tilespmem:s14], [sflag:$0x2], $0x80, s13, s13, $0xb8;
	[tilespmem:$0x17D00] =	vst v63  }
0x34: {  	_ =	swait.ge [sflag:s12], $0x4000  }
0x35: {  	s18 =	smov.u32 s21;
	[sflag:s12] =	ssyncset.done $0x0  }
0x36: {  	s18 =	sadd.s32 s17, s10;
	[sflag:s12] =	ssyncadd.s32 $0xFFFFC000  }
0x37: {  	[tilespmem:s3], [sflag:$0x2] =	stream.linear.gather [hbm4b:s18+s3], $0x80, $0x38;
	[tilespmem:$0x17D00] =	vst v63  }
0x38: {  	_ =	swait.ge [sflag:s12], $0x80  }
0x39: {  	[sflag:s12] =	ssyncset.done $0x0  }
0x3a: {  	s31 =	sadd.s32 s17, s9;
	[sflag:s12] =	ssyncadd.s32 $0xFFFFFF80  }
0x3b: {  	[tilespmem:s13], [sflag:$0x2] =	stream.linear.gather [hbm4b:s31+s3], $0x80, $0x38;
	[tilespmem:$0x17D00] =	vst v63  }
0x3c: {  	_ =	swait.ge [sflag:s12], $0x80  }
0x3d: {  	[sflag:s12] =	ssyncset.done $0x0  }
0x3e: {  	[sflag:s12] =	ssyncadd.s32 $0xFFFFFF80  }
0x3f: {  	[tilespmem:s14], [sflag:$0x1] =	stream.indirect.gather [hbm4b:s4+s13], $0x80, s3, s13, $0xb8;
	[tilespmem:$0x17D00] =	vst v63  }
0x40: {  	_ =	swait.ge [sflag:s15], $0x4000  }
0x41: {  	[sflag:s15] =	ssyncset.done $0x0  }
0x42: {  	[sflag:s15] =	ssyncadd.s32 $0xFFFFC000  }
0x43: {  	[spmem:s2] =	stream.indirect.scatter.add.f32 [tilespmem:s14], [sflag:$0x2], $0x80, s13, s13, $0xb8;
	[tilespmem:$0x17D00] =	vst v63  }
0x44: {  	_ =	swait.ge [sflag:s12], $0x4000  }
0x45: {  	s16 =	sadd.s32 $0x1, s16;
	[sflag:s12] =	ssyncset.done $0x0  }
0x46: {  	p0 =	sne.s32 s16, s8;
	[sflag:s12] =	ssyncadd.s32 $0xFFFFC000  }
.Ltmp1:
0x47: {  	[bflag:$0x0] =	sbarrier.arrive $0xFFFF;
	(pc) =	sbr.rel @p0 .LBB2_1-.Ltmp1, $4  }
0x48: {  	[hbm:s7], [sflag:s6] =	dma.local [spmem:s11], $0x2780  }
0x49: {  	_ =	swait.ge [sflag:s12], $0x2780  }
0x4a: {  	[sflag:s12] =	ssyncset.done $0x0  }
0x4b: {  	[sflag:s12] =	ssyncadd.s32 $0xFFFFD880  }
0x4c: {  	_ =	sfence.sel $0x180000  }
0x4d: {  	[bflag:$0x0] =	sbarrier.arrive $0xFFFF  }
0x4e: {  	p0 =	sne.s32 s1, $0x0;
	_ =	strace $0x90000050  }
0x4f: {  	s0 =	sadd.s32 @!p0 $0x100000, s0;
	[bflag:$0x2] =	sbarrier.arrive $0xFFFF  }
0x50: {  	[sflag:s0] =	ssyncadd.tile.s32 @!p0 $0x1;
	_ =	shalt  }
.Lfunc_end2:
_tile_overlayer_lowered:
.L_overlay_start_2:
0x51: {  	(tag) =	ssettag $0x2  }
0x52: {  	s0 =	rddreg [dreg:$0x0];
	s2 =	stileid.u32  }
0x53: {  	s1 =	rddreg [dreg:$0x1];
	p0 =	sne.s32 s2, $0x0  }
0x54: {  	s3 =	rddreg [dreg:$0x2];
	[bflag:$0x3] =	sbarrier.arrive $0xFFFF;
	s2 =	simm.s32 @!p0 $0x1C02  }
0x55: {  	[timem:s3], [sflag:s2] =	dma.local @!p0 [hbm:s0], s1  }
0x56: {  	s0 =	simm.s32 @!p0 $0x2  }
0x57: {  	_ =	swait.ge @!p0 [sflag:s0], s1  }
0x58: {  	s1 =	ssub.s32 @!p0 $0x0, s1;
	[sflag:s0] =	ssyncset.done @!p0 $0x0  }
0x59: {  	[sflag:s0] =	ssyncadd.s32 @!p0 s1  }
0x5a: {  	[bflag:$0x3] =	sbarrier.arrive $0xFFFF  }
0x5b: {  	_ =	shalt  }

</sc_bundles>
